<compile_context>
chip_gen: v7x
topology: tpu7x:2x2x1
jax: 0.10.2.dev20260603
libtpu: 0.0.44.dev20260713+nightly
codegen_flags: <defaults>
</compile_context>

<pallas_src>
import functools

import jax
import jax.numpy as jnp
from jax import lax
from jax.experimental import pallas as pl
from jax.experimental.pallas import tpu as pltpu, tpu_sc as plsc

N = 10000
E = 320000
D = 128
B = 16
DE = D + B
NSEG = 10240
NW = 32
CHUNK = E // NW
ROWBLK = 2000
HI = jax.lax.Precision.HIGHEST


def _bf(x):
    return x.astype(jnp.bfloat16).astype(jnp.float32)


def _split_mm(x, y, dims):
    xh = _bf(x); xl = x - xh
    yh = _bf(y); yl = y - yh
    dg = lambda a, b: lax.dot_general(a, b, (dims, ((), ())), precision=HI,
                                      preferred_element_type=jnp.float32)
    return ((dg(xh, yh) + dg(xl, yl)) + (dg(xh, yl) + dg(xl, yh)))


def _half_mm(xb, y, dims):
    yh = _bf(y); yl = y - yh
    dg = lambda a, b: lax.dot_general(a, b, (dims, ((), ())), precision=HI,
                                      preferred_element_type=jnp.float32)
    return dg(xb, yh) + dg(xb, yl)


def _kw_body(wq03, wk03, wq1, wq2, wk1, wk2, qs, qr, a_o, av_o, bv_o, c_o):
    a_o[...] = _split_mm(wq03[...], wk03[...], ((0,), (0,)))
    t = (lax.dot_general(qs[...], wk1[...], (((1,), (1,)), ((), ())), precision=HI)
         + lax.dot_general(qr[...], wk2[...], (((1,), (1,)), ((), ())), precision=HI))
    u = (lax.dot_general(qs[...], wq1[...], (((1,), (1,)), ((), ())), precision=HI)
         + lax.dot_general(qr[...], wq2[...], (((1,), (1,)), ((), ())), precision=HI))
    av_o[...] = _split_mm(t, wq03[...], ((1,), (0,)))
    bv_o[...] = _split_mm(u, wk03[...], ((1,), (0,)))
    c_o[...] = jnp.sum(u * t, axis=-1).reshape(1, B)


def _make_kw(interpret=False):
    return pl.pallas_call(
        _kw_body,
        out_shape=[
            jax.ShapeDtypeStruct((D, D), jnp.float32),
            jax.ShapeDtypeStruct((B, D), jnp.float32),
            jax.ShapeDtypeStruct((B, D), jnp.float32),
            jax.ShapeDtypeStruct((1, B), jnp.float32),
        ],
        interpret=interpret,
    )


def _k0_body(mem, a, av, bv, crow, zext_o, mext_o):
    m = mem[...]
    z = _half_mm(m, a[...], ((1,), (0,)))
    u = _half_mm(m, av[...], ((1,), (1,)))
    v = _half_mm(m, bv[...], ((1,), (1,))) + crow[...]
    zext_o[...] = jnp.concatenate([z, u], axis=-1)
    mext_o[...] = jnp.concatenate([m, v], axis=-1)


def _make_k0(interpret=False):
    return pl.pallas_call(
    _k0_body,
    interpret=interpret,
    grid=(N // ROWBLK,),
    in_specs=[
        pl.BlockSpec((ROWBLK, D), lambda i: (i, 0)),
        pl.BlockSpec((D, D), lambda i: (0, 0)),
        pl.BlockSpec((B, D), lambda i: (0, 0)),
        pl.BlockSpec((B, D), lambda i: (0, 0)),
        pl.BlockSpec((1, B), lambda i: (0, 0)),
    ],
    out_specs=[
        pl.BlockSpec((ROWBLK, DE), lambda i: (i, 0)),
        pl.BlockSpec((ROWBLK, DE), lambda i: (i, 0)),
    ],
    out_shape=[
        jax.ShapeDtypeStruct((N, DE), jnp.float32),
        jax.ShapeDtypeStruct((N, DE), jnp.float32),
    ],
    )


def _kf_body(wcol, mem, wbs, brow, out_o):
    agg = (wcol[...] * mem[...]).astype(jnp.bfloat16)
    x = lax.dot_general(agg, wbs[...].astype(jnp.bfloat16), (((1,), (1,)), ((), ())),
                        preferred_element_type=jnp.float32)
    x = x + brow[...]
    out_o[...] = jnp.where(x > 0, x, 0.01 * x)


def _make_kf(interpret=False):
    return pl.pallas_call(
        _kf_body,
        interpret=interpret,
        grid=(N // ROWBLK,),
        in_specs=[
            pl.BlockSpec((ROWBLK, 1), lambda i: (i, 0)),
            pl.BlockSpec((ROWBLK, D), lambda i: (i, 0)),
            pl.BlockSpec((D, D), lambda i: (0, 0)),
            pl.BlockSpec((1, D), lambda i: (0, 0)),
        ],
        out_specs=pl.BlockSpec((ROWBLK, D), lambda i: (i, 0)),
        out_shape=jax.ShapeDtypeStruct((N, D), jnp.float32),
    )


_kw = _make_kw()
_k0 = _make_k0()
_kf = _make_kf()


def kernel(memorized_embedding, query_src_emb, query_rel_emb, Wq, Wk, W_bs, b_bs,
           edge_src, edge_dst, eg_ids, segment_ids):
    bf = lambda x: lax.optimization_barrier(x.astype(jnp.bfloat16)).astype(jnp.float32)
    mem = memorized_embedding
    memb = bf(mem)
    wqb = [bf(Wq[:, i * D:(i + 1) * D]) for i in range(4)]
    wkb = [bf(Wk[:, i * D:(i + 1) * D]) for i in range(4)]
    a, av, bv, crow = _kw(wqb[0] + wqb[3], wkb[0] + wkb[3], wqb[1], wqb[2],
                          wkb[1], wkb[2], bf(query_src_emb), bf(query_rel_emb))
    zext, mext = _k0(memb, a, av, bv, crow)

    zr = lax.optimization_barrier(zext[edge_src])
    mr = lax.optimization_barrier(mext[edge_dst])
    prod = lax.optimization_barrier(zr[:, :D] * mr[:, :D])
    logits = (jnp.sum(prod, axis=-1)
              + zr[jnp.arange(E), D + eg_ids] + mr[jnp.arange(E), D + eg_ids])
    seg_max = jax.ops.segment_max(logits, segment_ids, num_segments=N)
    seg_max = jnp.where(jnp.isfinite(seg_max), seg_max, 0.0)
    ex = jnp.exp(logits - seg_max[segment_ids])
    den = jax.ops.segment_sum(ex, segment_ids, num_segments=N)
    att = ex / den[segment_ids]
    w = jax.ops.segment_sum(att, edge_dst, num_segments=N)

    updated = _kf(w.reshape(N, 1), mem, W_bs, b_bs.reshape(1, D))
    return (updated, att)

# --- scband reference (transcript-rebuilt; emitter-appended) ---
"""Pipeline reference for scband-x-erte-20598663152053 (READ-ONLY COPY).

The authoritative reference and input builder live on the scoring server;
editing this copy changes nothing except your own understanding.
"""

import jax, jax.numpy as jnp
import numpy as np

N_NODES = 10000
N_EDGES = 320000
D = 128
B = 16
RATIO_UPDATE = 0.0


def setup_inputs(seed: int = 0) -> dict:
    key = jax.random.key(seed)
    ks = jax.random.split(key, 12)
    memorized_embedding = jax.random.normal(ks[0], (N_NODES, D), dtype=jnp.float32)
    query_src_emb = jax.random.normal(ks[1], (B, D), dtype=jnp.float32)
    query_rel_emb = jax.random.normal(ks[2], (B, D), dtype=jnp.float32)
    edge_src = jax.random.randint(ks[3], (N_EDGES,), 0, N_NODES, dtype=jnp.int32)
    edge_dst = jax.random.randint(ks[4], (N_EDGES,), 0, N_NODES, dtype=jnp.int32)
    eg_ids = jnp.sort(jax.random.randint(ks[5], (N_EDGES,), 0, B, dtype=jnp.int32))
    segment_ids = jnp.sort(jax.random.randint(ks[6], (N_EDGES,), 0, N_NODES, dtype=jnp.int32))
    # G3 bilinear projection weights: operate on concat of 4 x D = 4D features
    Wq = jax.random.normal(ks[7], (4 * D, 4 * D), dtype=jnp.float32) * np.sqrt(2.0 / (4 * D))
    Wk = jax.random.normal(ks[8], (4 * D, 4 * D), dtype=jnp.float32) * np.sqrt(2.0 / (4 * D))
    # linear_between_steps
    W_bs = jax.random.normal(ks[9], (D, D), dtype=jnp.float32) * np.sqrt(2.0 / (2 * D))
    b_bs = jnp.zeros((D,), dtype=jnp.float32)
    return {
        'memorized_embedding': memorized_embedding,
        'query_src_emb': query_src_emb,
        'query_rel_emb': query_rel_emb,
        'Wq': Wq,
        'Wk': Wk,
        'W_bs': W_bs,
        'b_bs': b_bs,
        'edge_src': edge_src,
        'edge_dst': edge_dst,
        'eg_ids': eg_ids,
        'segment_ids': segment_ids,
    }


def reference(memorized_embedding, query_src_emb, query_rel_emb, Wq, Wk, W_bs, b_bs,
              edge_src, edge_dst, eg_ids, segment_ids):
    # gather node hidden states per edge (memorized_embedding[edges[:, -2/-1]])
    hvi = jnp.take(memorized_embedding, edge_src, axis=0)
    hvj = jnp.take(memorized_embedding, edge_dst, axis=0)
    # gather per-example query embeddings (repeated per edge via eg_idx)
    qs = jnp.take(query_src_emb, eg_ids, axis=0)
    qr = jnp.take(query_rel_emb, eg_ids, axis=0)
    # G3: left/right are concatenations of hidden + query src/rel embeddings
    left_x = jnp.concatenate([hvi, qs, qr, hvi], axis=-1)
    right_x = jnp.concatenate([hvj, qs, qr, hvj], axis=-1)
    logits = jnp.sum((left_x @ Wq.T) * (right_x @ Wk.T), axis=-1)  # [E]
    # segment_softmax_op_v2: subtract per-segment max, exp, divide by per-segment sum
    seg_max = jax.ops.segment_max(logits, segment_ids, num_segments=N_NODES)
    seg_max = jnp.where(jnp.isfinite(seg_max), seg_max, 0.0)
    shifted = logits - seg_max[segment_ids]
    ex = jnp.exp(shifted)
    den = jax.ops.segment_sum(ex, segment_ids, num_segments=N_NODES)
    att = ex / den[segment_ids]  # [E]
    att = jnp.where(jnp.isnan(att), 0.0, att)
    # node score aggregation ('sum'): scatter-add attention-weighted messages to dst nodes
    agg = jnp.zeros((N_NODES, D), dtype=jnp.float32).at[edge_dst].add(att[:, None] * hvj)
    # linear_between_steps + LeakyReLU
    new_emb = jax.nn.leaky_relu(agg @ W_bs.T + b_bs, negative_slope=0.01)
    updated = RATIO_UPDATE * memorized_embedding + (1.0 - RATIO_UPDATE) * new_emb
    return (updated, att)

if __name__ == "__main__":
    import jax
    _d = setup_inputs()
    print(jax.jit(kernel)(*tuple(_d.values())))

</pallas_src>

<mosaic_0001>
module attributes {stable_mosaic.version = 14 : i64} {
  func.func @_kw_body(%arg0: memref<512x128xf32, #tpu.memory_space<vmem>>, %arg1: memref<512x128xf32, #tpu.memory_space<vmem>>, %arg2: memref<512x128xf32, #tpu.memory_space<vmem>>, %arg3: memref<512x128xf32, #tpu.memory_space<vmem>>, %arg4: memref<512x128xf32, #tpu.memory_space<vmem>>, %arg5: memref<512x128xf32, #tpu.memory_space<vmem>>, %arg6: memref<16x128xf32, #tpu.memory_space<vmem>>, %arg7: memref<16x128xf32, #tpu.memory_space<vmem>>, %arg8: memref<128x128xf32, #tpu.memory_space<vmem>>, %arg9: memref<16x128xf32, #tpu.memory_space<vmem>>, %arg10: memref<16x128xf32, #tpu.memory_space<vmem>>, %arg11: memref<1x16xf32, #tpu.memory_space<vmem>>) attributes {dimension_semantics = [], scalar_prefetch = 0 : i64, scratch_operands = 0 : i64, tpu.core_type = #tpu.core_type<tc>} {
    %get3A = arith.constant 0 : index
    %get3A_0 = arith.constant 0 : index
    %get3A_1 = vector.load %arg0[%get3A, %get3A_0] : memref<512x128xf32, #tpu.memory_space<vmem>>, vector<512x128xf32>
    %get3A_2 = arith.constant 0 : index
    %get3A_3 = arith.constant 0 : index
    %get3A_4 = vector.load %arg1[%get3A_2, %get3A_3] : memref<512x128xf32, #tpu.memory_space<vmem>>, vector<512x128xf32>
    %convert_element_type3A = arith.truncf %get3A_1 : vector<512x128xf32> to vector<512x128xbf16>
    %convert_element_type3A_5 = arith.extf %convert_element_type3A : vector<512x128xbf16> to vector<512x128xf32>
    %sub3A = arith.subf %get3A_1, %convert_element_type3A_5 : vector<512x128xf32>
    %convert_element_type3A_6 = arith.truncf %get3A_4 : vector<512x128xf32> to vector<512x128xbf16>
    %convert_element_type3A_7 = arith.extf %convert_element_type3A_6 : vector<512x128xbf16> to vector<512x128xf32>
    %sub3A_8 = arith.subf %get3A_4, %convert_element_type3A_7 : vector<512x128xf32>
    %dot_general3A = arith.constant dense<0.000000e+00> : vector<128x128xf32>
    %dot_general3A_9 = tpu.matmul %convert_element_type3A_5, %convert_element_type3A_7, %dot_general3A {dimension_numbers = #tpu.dot_dimension_numbers<[0], [0], [1], [1], [0, 1, 1, 1], [], []>, precision = #tpu.contract_precision<fp32>, transpose_lhs_hint = false} : vector<512x128xf32>, vector<512x128xf32>, vector<128x128xf32> -> vector<128x128xf32>
    %dot_general3A_10 = arith.constant dense<0.000000e+00> : vector<128x128xf32>
    %dot_general3A_11 = tpu.matmul %sub3A, %sub3A_8, %dot_general3A_10 {dimension_numbers = #tpu.dot_dimension_numbers<[0], [0], [1], [1], [0, 1, 1, 1], [], []>, precision = #tpu.contract_precision<fp32>, transpose_lhs_hint = false} : vector<512x128xf32>, vector<512x128xf32>, vector<128x128xf32> -> vector<128x128xf32>
    %add3A = arith.addf %dot_general3A_9, %dot_general3A_11 : vector<128x128xf32>
    %dot_general3A_12 = arith.constant dense<0.000000e+00> : vector<128x128xf32>
    %dot_general3A_13 = tpu.matmul %convert_element_type3A_5, %sub3A_8, %dot_general3A_12 {dimension_numbers = #tpu.dot_dimension_numbers<[0], [0], [1], [1], [0, 1, 1, 1], [], []>, precision = #tpu.contract_precision<fp32>, transpose_lhs_hint = false} : vector<512x128xf32>, vector<512x128xf32>, vector<128x128xf32> -> vector<128x128xf32>
    %dot_general3A_14 = arith.constant dense<0.000000e+00> : vector<128x128xf32>
    %dot_general3A_15 = tpu.matmul %sub3A, %convert_element_type3A_7, %dot_general3A_14 {dimension_numbers = #tpu.dot_dimension_numbers<[0], [0], [1], [1], [0, 1, 1, 1], [], []>, precision = #tpu.contract_precision<fp32>, transpose_lhs_hint = false} : vector<512x128xf32>, vector<512x128xf32>, vector<128x128xf32> -> vector<128x128xf32>
    %add3A_16 = arith.addf %dot_general3A_13, %dot_general3A_15 : vector<128x128xf32>
    %add3A_17 = arith.addf %add3A, %add3A_16 : vector<128x128xf32>
    %swap3A = arith.constant 0 : index
    %swap3A_18 = arith.constant 0 : index
    %swap3A_19 = vector.load %arg8[%swap3A, %swap3A_18] : memref<128x128xf32, #tpu.memory_space<vmem>>, vector<128x128xf32>
    tpu.vector_store %arg8[%swap3A, %swap3A_18], %add3A_17 {strides = array<i32>} : memref<128x128xf32, #tpu.memory_space<vmem>>, vector<128x128xf32>,
    %get3A_20 = arith.constant 0 : index
    %get3A_21 = arith.constant 0 : index
    %get3A_22 = vector.load %arg6[%get3A_20, %get3A_21] : memref<16x128xf32, #tpu.memory_space<vmem>>, vector<16x128xf32>
    %get3A_23 = arith.constant 0 : index
    %get3A_24 = arith.constant 0 : index
    %get3A_25 = vector.load %arg4[%get3A_23, %get3A_24] : memref<512x128xf32, #tpu.memory_space<vmem>>, vector<512x128xf32>
    %dot_general3A_26 = arith.constant dense<0.000000e+00> : vector<16x512xf32>
    %dot_general3A_27 = tpu.matmul %get3A_22, %get3A_25, %dot_general3A_26 {dimension_numbers = #tpu.dot_dimension_numbers<[1], [1], [0], [0], [0, 0, 1, 0], [], []>, precision = #tpu.contract_precision<fp32>, transpose_lhs_hint = false} : vector<16x128xf32>, vector<512x128xf32>, vector<16x512xf32> -> vector<16x512xf32>
    %get3A_28 = arith.constant 0 : index
    %get3A_29 = arith.constant 0 : index
    %get3A_30 = vector.load %arg7[%get3A_28, %get3A_29] : memref<16x128xf32, #tpu.memory_space<vmem>>, vector<16x128xf32>
    %get3A_31 = arith.constant 0 : index
    %get3A_32 = arith.constant 0 : index
    %get3A_33 = vector.load %arg5[%get3A_31, %get3A_32] : memref<512x128xf32, #tpu.memory_space<vmem>>, vector<512x128xf32>
    %dot_general3A_34 = arith.constant dense<0.000000e+00> : vector<16x512xf32>
    %dot_general3A_35 = tpu.matmul %get3A_30, %get3A_33, %dot_general3A_34 {dimension_numbers = #tpu.dot_dimension_numbers<[1], [1], [0], [0], [0, 0, 1, 0], [], []>, precision = #tpu.contract_precision<fp32>, transpose_lhs_hint = false} : vector<16x128xf32>, vector<512x128xf32>, vector<16x512xf32> -> vector<16x512xf32>
    %add3A_36 = arith.addf %dot_general3A_27, %dot_general3A_35 : vector<16x512xf32>
    %get3A_37 = arith.constant 0 : index
    %get3A_38 = arith.constant 0 : index
    %get3A_39 = vector.load %arg6[%get3A_37, %get3A_38] : memref<16x128xf32, #tpu.memory_space<vmem>>, vector<16x128xf32>
    %get3A_40 = arith.constant 0 : index
    %get3A_41 = arith.constant 0 : index
    %get3A_42 = vector.load %arg2[%get3A_40, %get3A_41] : memref<512x128xf32, #tpu.memory_space<vmem>>, vector<512x128xf32>
    %dot_general3A_43 = arith.constant dense<0.000000e+00> : vector<16x512xf32>
    %dot_general3A_44 = tpu.matmul %get3A_39, %get3A_42, %dot_general3A_43 {dimension_numbers = #tpu.dot_dimension_numbers<[1], [1], [0], [0], [0, 0, 1, 0], [], []>, precision = #tpu.contract_precision<fp32>, transpose_lhs_hint = false} : vector<16x128xf32>, vector<512x128xf32>, vector<16x512xf32> -> vector<16x512xf32>
    %get3A_45 = arith.constant 0 : index
    %get3A_46 = arith.constant 0 : index
    %get3A_47 = vector.load %arg7[%get3A_45, %get3A_46] : memref<16x128xf32, #tpu.memory_space<vmem>>, vector<16x128xf32>
    %get3A_48 = arith.constant 0 : index
    %get3A_49 = arith.constant 0 : index
    %get3A_50 = vector.load %arg3[%get3A_48, %get3A_49] : memref<512x128xf32, #tpu.memory_space<vmem>>, vector<512x128xf32>
    %dot_general3A_51 = arith.constant dense<0.000000e+00> : vector<16x512xf32>
    %dot_general3A_52 = tpu.matmul %get3A_47, %get3A_50, %dot_general3A_51 {dimension_numbers = #tpu.dot_dimension_numbers<[1], [1], [0], [0], [0, 0, 1, 0], [], []>, precision = #tpu.contract_precision<fp32>, transpose_lhs_hint = false} : vector<16x128xf32>, vector<512x128xf32>, vector<16x512xf32> -> vector<16x512xf32>
    %add3A_53 = arith.addf %dot_general3A_44, %dot_general3A_52 : vector<16x512xf32>
    %get3A_54 = arith.constant 0 : index
    %get3A_55 = arith.constant 0 : index
    %get3A_56 = vector.load %arg0[%get3A_54, %get3A_55] : memref<512x128xf32, #tpu.memory_space<vmem>>, vector<512x128xf32>
    %convert_element_type3A_57 = arith.truncf %add3A_36 : vector<16x512xf32> to vector<16x512xbf16>
    %convert_element_type3A_58 = arith.extf %convert_element_type3A_57 : vector<16x512xbf16> to vector<16x512xf32>
    %sub3A_59 = arith.subf %add3A_36, %convert_element_type3A_58 : vector<16x512xf32>
    %convert_element_type3A_60 = arith.truncf %get3A_56 : vector<512x128xf32> to vector<512x128xbf16>
    %convert_element_type3A_61 = arith.extf %convert_element_type3A_60 : vector<512x128xbf16> to vector<512x128xf32>
    %sub3A_62 = arith.subf %get3A_56, %convert_element_type3A_61 : vector<512x128xf32>
    %dot_general3A_63 = arith.constant dense<0.000000e+00> : vector<16x128xf32>
    %dot_general3A_64 = tpu.matmul %convert_element_type3A_58, %convert_element_type3A_61, %dot_general3A_63 {dimension_numbers = #tpu.dot_dimension_numbers<[1], [0], [0], [1], [0, 0, 1, 1], [], []>, precision = #tpu.contract_precision<fp32>, transpose_lhs_hint = false} : vector<16x512xf32>, vector<512x128xf32>, vector<16x128xf32> -> vector<16x128xf32>
    %dot_general3A_65 = arith.constant dense<0.000000e+00> : vector<16x128xf32>
    %dot_general3A_66 = tpu.matmul %sub3A_59, %sub3A_62, %dot_general3A_65 {dimension_numbers = #tpu.dot_dimension_numbers<[1], [0], [0], [1], [0, 0, 1, 1], [], []>, precision = #tpu.contract_precision<fp32>, transpose_lhs_hint = false} : vector<16x512xf32>, vector<512x128xf32>, vector<16x128xf32> -> vector<16x128xf32>
    %add3A_67 = arith.addf %dot_general3A_64, %dot_general3A_66 : vector<16x128xf32>
    %dot_general3A_68 = arith.constant dense<0.000000e+00> : vector<16x128xf32>
    %dot_general3A_69 = tpu.matmul %convert_element_type3A_58, %sub3A_62, %dot_general3A_68 {dimension_numbers = #tpu.dot_dimension_numbers<[1], [0], [0], [1], [0, 0, 1, 1], [], []>, precision = #tpu.contract_precision<fp32>, transpose_lhs_hint = false} : vector<16x512xf32>, vector<512x128xf32>, vector<16x128xf32> -> vector<16x128xf32>
    %dot_general3A_70 = arith.constant dense<0.000000e+00> : vector<16x128xf32>
    %dot_general3A_71 = tpu.matmul %sub3A_59, %convert_element_type3A_61, %dot_general3A_70 {dimension_numbers = #tpu.dot_dimension_numbers<[1], [0], [0], [1], [0, 0, 1, 1], [], []>, precision = #tpu.contract_precision<fp32>, transpose_lhs_hint = false} : vector<16x512xf32>, vector<512x128xf32>, vector<16x128xf32> -> vector<16x128xf32>
    %add3A_72 = arith.addf %dot_general3A_69, %dot_general3A_71 : vector<16x128xf32>
    %add3A_73 = arith.addf %add3A_67, %add3A_72 : vector<16x128xf32>
    %swap3A_74 = arith.constant 0 : index
    %swap3A_75 = arith.constant 0 : index
    %swap3A_76 = vector.load %arg9[%swap3A_74, %swap3A_75] : memref<16x128xf32, #tpu.memory_space<vmem>>, vector<16x128xf32>
    tpu.vector_store %arg9[%swap3A_74, %swap3A_75], %add3A_73 {strides = array<i32>} : memref<16x128xf32, #tpu.memory_space<vmem>>, vector<16x128xf32>,
    %get3A_77 = arith.constant 0 : index
    %get3A_78 = arith.constant 0 : index
    %get3A_79 = vector.load %arg1[%get3A_77, %get3A_78] : memref<512x128xf32, #tpu.memory_space<vmem>>, vector<512x128xf32>
    %convert_element_type3A_80 = arith.truncf %add3A_53 : vector<16x512xf32> to vector<16x512xbf16>
    %convert_element_type3A_81 = arith.extf %convert_element_type3A_80 : vector<16x512xbf16> to vector<16x512xf32>
    %sub3A_82 = arith.subf %add3A_53, %convert_element_type3A_81 : vector<16x512xf32>
    %convert_element_type3A_83 = arith.truncf %get3A_79 : vector<512x128xf32> to vector<512x128xbf16>
    %convert_element_type3A_84 = arith.extf %convert_element_type3A_83 : vector<512x128xbf16> to vector<512x128xf32>
    %sub3A_85 = arith.subf %get3A_79, %convert_element_type3A_84 : vector<512x128xf32>
    %dot_general3A_86 = arith.constant dense<0.000000e+00> : vector<16x128xf32>
    %dot_general3A_87 = tpu.matmul %convert_element_type3A_81, %convert_element_type3A_84, %dot_general3A_86 {dimension_numbers = #tpu.dot_dimension_numbers<[1], [0], [0], [1], [0, 0, 1, 1], [], []>, precision = #tpu.contract_precision<fp32>, transpose_lhs_hint = false} : vector<16x512xf32>, vector<512x128xf32>, vector<16x128xf32> -> vector<16x128xf32>
    %dot_general3A_88 = arith.constant dense<0.000000e+00> : vector<16x128xf32>
    %dot_general3A_89 = tpu.matmul %sub3A_82, %sub3A_85, %dot_general3A_88 {dimension_numbers = #tpu.dot_dimension_numbers<[1], [0], [0], [1], [0, 0, 1, 1], [], []>, precision = #tpu.contract_precision<fp32>, transpose_lhs_hint = false} : vector<16x512xf32>, vector<512x128xf32>, vector<16x128xf32> -> vector<16x128xf32>
    %add3A_90 = arith.addf %dot_general3A_87, %dot_general3A_89 : vector<16x128xf32>
    %dot_general3A_91 = arith.constant dense<0.000000e+00> : vector<16x128xf32>
    %dot_general3A_92 = tpu.matmul %convert_element_type3A_81, %sub3A_85, %dot_general3A_91 {dimension_numbers = #tpu.dot_dimension_numbers<[1], [0], [0], [1], [0, 0, 1, 1], [], []>, precision = #tpu.contract_precision<fp32>, transpose_lhs_hint = false} : vector<16x512xf32>, vector<512x128xf32>, vector<16x128xf32> -> vector<16x128xf32>
    %dot_general3A_93 = arith.constant dense<0.000000e+00> : vector<16x128xf32>
    %dot_general3A_94 = tpu.matmul %sub3A_82, %convert_element_type3A_84, %dot_general3A_93 {dimension_numbers = #tpu.dot_dimension_numbers<[1], [0], [0], [1], [0, 0, 1, 1], [], []>, precision = #tpu.contract_precision<fp32>, transpose_lhs_hint = false} : vector<16x512xf32>, vector<512x128xf32>, vector<16x128xf32> -> vector<16x128xf32>
    %add3A_95 = arith.addf %dot_general3A_92, %dot_general3A_94 : vector<16x128xf32>
    %add3A_96 = arith.addf %add3A_90, %add3A_95 : vector<16x128xf32>
    %swap3A_97 = arith.constant 0 : index
    %swap3A_98 = arith.constant 0 : index
    %swap3A_99 = vector.load %arg10[%swap3A_97, %swap3A_98] : memref<16x128xf32, #tpu.memory_space<vmem>>, vector<16x128xf32>
    tpu.vector_store %arg10[%swap3A_97, %swap3A_98], %add3A_96 {strides = array<i32>} : memref<16x128xf32, #tpu.memory_space<vmem>>, vector<16x128xf32>,
    %mul3A = arith.mulf %add3A_53, %add3A_36 : vector<16x512xf32>
    %reduce_sum3A = arith.constant dense<0.000000e+00> : vector<16xf32>
    %reduce_sum3A_100 = vector.multi_reduction <add>, %mul3A, %reduce_sum3A [1] : vector<16x512xf32> to vector<16xf32>
    %reshape3A = vector.shape_cast %reduce_sum3A_100 : vector<16xf32> to vector<1x16xf32>
    %swap3A_101 = arith.constant 0 : index
    %swap3A_102 = arith.constant 0 : index
    %swap3A_103 = vector.load %arg11[%swap3A_101, %swap3A_102] : memref<1x16xf32, #tpu.memory_space<vmem>>, vector<1x16xf32>
    tpu.vector_store %arg11[%swap3A_101, %swap3A_102], %reshape3A {strides = array<i32>} : memref<1x16xf32, #tpu.memory_space<vmem>>, vector<1x16xf32>,
    return
  }
}

module attributes {stable_mosaic.version = 14 : i64} {
  func.func @_k0_body(%arg0: i32, %arg1: memref<2000x128xf32, #tpu.memory_space<vmem>>, %arg2: memref<128x128xf32, #tpu.memory_space<vmem>>, %arg3: memref<16x128xf32, #tpu.memory_space<vmem>>, %arg4: memref<16x128xf32, #tpu.memory_space<vmem>>, %arg5: memref<1x16xf32, #tpu.memory_space<vmem>>, %arg6: memref<2000x144xf32, #tpu.memory_space<vmem>>, %arg7: memref<2000x144xf32, #tpu.memory_space<vmem>>) attributes {dimension_semantics = [#tpu.dimension_semantics<arbitrary>], iteration_bounds = array<i64: 5>, scalar_prefetch = 0 : i64, scratch_operands = 0 : i64, tpu.core_type = #tpu.core_type<tc>, window_params = [{transform_indices = @transform_0, window_bounds = array<i64: 2000, 128>}, {pipeline_mode = #tpu.pipeline_mode<synchronous>, transform_indices = @transform_1, window_bounds = array<i64: 128, 128>}, {pipeline_mode = #tpu.pipeline_mode<synchronous>, transform_indices = @transform_2, window_bounds = array<i64: 16, 128>}, {pipeline_mode = #tpu.pipeline_mode<synchronous>, transform_indices = @transform_3, window_bounds = array<i64: 16, 128>}, {pipeline_mode = #tpu.pipeline_mode<synchronous>, transform_indices = @transform_4, window_bounds = array<i64: 1, 16>}, {transform_indices = @transform_5, window_bounds = array<i64: 2000, 144>}, {transform_indices = @transform_6, window_bounds = array<i64: 2000, 144>}]} {
    %get3A = arith.constant 0 : index
    %get3A_0 = arith.constant 0 : index
    %get3A_1 = vector.load %arg1[%get3A, %get3A_0] : memref<2000x128xf32, #tpu.memory_space<vmem>>, vector<2000x128xf32>
    %get3A_2 = arith.constant 0 : index
    %get3A_3 = arith.constant 0 : index
    %get3A_4 = vector.load %arg2[%get3A_2, %get3A_3] : memref<128x128xf32, #tpu.memory_space<vmem>>, vector<128x128xf32>
    %convert_element_type3A = arith.truncf %get3A_4 : vector<128x128xf32> to vector<128x128xbf16>
    %convert_element_type3A_5 = arith.extf %convert_element_type3A : vector<128x128xbf16> to vector<128x128xf32>
    %sub3A = arith.subf %get3A_4, %convert_element_type3A_5 : vector<128x128xf32>
    %dot_general3A = arith.constant dense<0.000000e+00> : vector<2000x128xf32>
    %dot_general3A_6 = tpu.matmul %get3A_1, %convert_element_type3A_5, %dot_general3A {dimension_numbers = #tpu.dot_dimension_numbers<[1], [0], [0], [1], [0, 0, 1, 1], [], []>, precision = #tpu.contract_precision<fp32>, transpose_lhs_hint = false} : vector<2000x128xf32>, vector<128x128xf32>, vector<2000x128xf32> -> vector<2000x128xf32>
    %dot_general3A_7 = arith.constant dense<0.000000e+00> : vector<2000x128xf32>
    %dot_general3A_8 = tpu.matmul %get3A_1, %sub3A, %dot_general3A_7 {dimension_numbers = #tpu.dot_dimension_numbers<[1], [0], [0], [1], [0, 0, 1, 1], [], []>, precision = #tpu.contract_precision<fp32>, transpose_lhs_hint = false} : vector<2000x128xf32>, vector<128x128xf32>, vector<2000x128xf32> -> vector<2000x128xf32>
    %add3A = arith.addf %dot_general3A_6, %dot_general3A_8 : vector<2000x128xf32>
    %get3A_9 = arith.constant 0 : index
    %get3A_10 = arith.constant 0 : index
    %get3A_11 = vector.load %arg3[%get3A_9, %get3A_10] : memref<16x128xf32, #tpu.memory_space<vmem>>, vector<16x128xf32>
    %convert_element_type3A_12 = arith.truncf %get3A_11 : vector<16x128xf32> to vector<16x128xbf16>
    %convert_element_type3A_13 = arith.extf %convert_element_type3A_12 : vector<16x128xbf16> to vector<16x128xf32>
    %sub3A_14 = arith.subf %get3A_11, %convert_element_type3A_13 : vector<16x128xf32>
    %dot_general3A_15 = arith.constant dense<0.000000e+00> : vector<2000x16xf32>
    %dot_general3A_16 = tpu.matmul %get3A_1, %convert_element_type3A_13, %dot_general3A_15 {dimension_numbers = #tpu.dot_dimension_numbers<[1], [1], [0], [0], [0, 0, 1, 0], [], []>, precision = #tpu.contract_precision<fp32>, transpose_lhs_hint = false} : vector<2000x128xf32>, vector<16x128xf32>, vector<2000x16xf32> -> vector<2000x16xf32>
    %dot_general3A_17 = arith.constant dense<0.000000e+00> : vector<2000x16xf32>
    %dot_general3A_18 = tpu.matmul %get3A_1, %sub3A_14, %dot_general3A_17 {dimension_numbers = #tpu.dot_dimension_numbers<[1], [1], [0], [0], [0, 0, 1, 0], [], []>, precision = #tpu.contract_precision<fp32>, transpose_lhs_hint = false} : vector<2000x128xf32>, vector<16x128xf32>, vector<2000x16xf32> -> vector<2000x16xf32>
    %add3A_19 = arith.addf %dot_general3A_16, %dot_general3A_18 : vector<2000x16xf32>
    %get3A_20 = arith.constant 0 : index
    %get3A_21 = arith.constant 0 : index
    %get3A_22 = vector.load %arg4[%get3A_20, %get3A_21] : memref<16x128xf32, #tpu.memory_space<vmem>>, vector<16x128xf32>
    %convert_element_type3A_23 = arith.truncf %get3A_22 : vector<16x128xf32> to vector<16x128xbf16>
    %convert_element_type3A_24 = arith.extf %convert_element_type3A_23 : vector<16x128xbf16> to vector<16x128xf32>
    %sub3A_25 = arith.subf %get3A_22, %convert_element_type3A_24 : vector<16x128xf32>
    %dot_general3A_26 = arith.constant dense<0.000000e+00> : vector<2000x16xf32>
    %dot_general3A_27 = tpu.matmul %get3A_1, %convert_element_type3A_24, %dot_general3A_26 {dimension_numbers = #tpu.dot_dimension_numbers<[1], [1], [0], [0], [0, 0, 1, 0], [], []>, precision = #tpu.contract_precision<fp32>, transpose_lhs_hint = false} : vector<2000x128xf32>, vector<16x128xf32>, vector<2000x16xf32> -> vector<2000x16xf32>
    %dot_general3A_28 = arith.constant dense<0.000000e+00> : vector<2000x16xf32>
    %dot_general3A_29 = tpu.matmul %get3A_1, %sub3A_25, %dot_general3A_28 {dimension_numbers = #tpu.dot_dimension_numbers<[1], [1], [0], [0], [0, 0, 1, 0], [], []>, precision = #tpu.contract_precision<fp32>, transpose_lhs_hint = false} : vector<2000x128xf32>, vector<16x128xf32>, vector<2000x16xf32> -> vector<2000x16xf32>
    %add3A_30 = arith.addf %dot_general3A_27, %dot_general3A_29 : vector<2000x16xf32>
    %get3A_31 = arith.constant 0 : index
    %get3A_32 = arith.constant 0 : index
    %get3A_33 = vector.load %arg5[%get3A_31, %get3A_32] : memref<1x16xf32, #tpu.memory_space<vmem>>, vector<1x16xf32>
    %add3A_34 = vector.broadcast %get3A_33 : vector<1x16xf32> to vector<2000x16xf32>
    %add3A_35 = arith.addf %add3A_30, %add3A_34 : vector<2000x16xf32>
    %concatenate3A = tpu.concatenate %add3A, %add3A_19 in 1 : vector<2000x128xf32>, vector<2000x16xf32> -> vector<2000x144xf32>
    %swap3A = arith.constant 0 : index
    %swap3A_36 = arith.constant 0 : index
    %swap3A_37 = vector.load %arg6[%swap3A, %swap3A_36] : memref<2000x144xf32, #tpu.memory_space<vmem>>, vector<2000x144xf32>
    tpu.vector_store %arg6[%swap3A, %swap3A_36], %concatenate3A {strides = array<i32>} : memref<2000x144xf32, #tpu.memory_space<vmem>>, vector<2000x144xf32>,
    %concatenate3A_38 = tpu.concatenate %get3A_1, %add3A_35 in 1 : vector<2000x128xf32>, vector<2000x16xf32> -> vector<2000x144xf32>
    %swap3A_39 = arith.constant 0 : index
    %swap3A_40 = arith.constant 0 : index
    %swap3A_41 = vector.load %arg7[%swap3A_39, %swap3A_40] : memref<2000x144xf32, #tpu.memory_space<vmem>>, vector<2000x144xf32>
    tpu.vector_store %arg7[%swap3A_39, %swap3A_40], %concatenate3A_38 {strides = array<i32>} : memref<2000x144xf32, #tpu.memory_space<vmem>>, vector<2000x144xf32>,
    return
  }
  func.func @transform_0(%arg0: i32) -> (i32, i32) {
    %c0_i32 = arith.constant 0 : i32
    %c0_i32_0 = arith.constant 0 : i32
    return %arg0, %c0_i32 : i32, i32
  }
  func.func @transform_1(%arg0: i32) -> (i32, i32) {
    %c0_i32 = arith.constant 0 : i32
    %c0_i32_0 = arith.constant 0 : i32
    %c0_i32_1 = arith.constant 0 : i32
    return %c0_i32, %c0_i32_0 : i32, i32
  }
  func.func @transform_2(%arg0: i32) -> (i32, i32) {
    %c0_i32 = arith.constant 0 : i32
    %c0_i32_0 = arith.constant 0 : i32
    %c0_i32_1 = arith.constant 0 : i32
    return %c0_i32, %c0_i32_0 : i32, i32
  }
  func.func @transform_3(%arg0: i32) -> (i32, i32) {
    %c0_i32 = arith.constant 0 : i32
    %c0_i32_0 = arith.constant 0 : i32
    %c0_i32_1 = arith.constant 0 : i32
    return %c0_i32, %c0_i32_0 : i32, i32
  }
  func.func @transform_4(%arg0: i32) -> (i32, i32) {
    %c0_i32 = arith.constant 0 : i32
    %c0_i32_0 = arith.constant 0 : i32
    %c0_i32_1 = arith.constant 0 : i32
    return %c0_i32, %c0_i32_0 : i32, i32
  }
  func.func @transform_5(%arg0: i32) -> (i32, i32) {
    %c0_i32 = arith.constant 0 : i32
    %c0_i32_0 = arith.constant 0 : i32
    return %arg0, %c0_i32 : i32, i32
  }
  func.func @transform_6(%arg0: i32) -> (i32, i32) {
    %c0_i32 = arith.constant 0 : i32
    %c0_i32_0 = arith.constant 0 : i32
    return %arg0, %c0_i32 : i32, i32
  }
}

module attributes {stable_mosaic.version = 14 : i64} {
  func.func @_kf_body(%arg0: i32, %arg1: memref<2000x1xf32, #tpu.memory_space<vmem>>, %arg2: memref<2000x128xf32, #tpu.memory_space<vmem>>, %arg3: memref<128x128xf32, #tpu.memory_space<vmem>>, %arg4: memref<1x128xf32, #tpu.memory_space<vmem>>, %arg5: memref<2000x128xf32, #tpu.memory_space<vmem>>) attributes {dimension_semantics = [#tpu.dimension_semantics<arbitrary>], iteration_bounds = array<i64: 5>, scalar_prefetch = 0 : i64, scratch_operands = 0 : i64, tpu.core_type = #tpu.core_type<tc>, window_params = [{transform_indices = @transform_0, window_bounds = array<i64: 2000, 1>}, {transform_indices = @transform_1, window_bounds = array<i64: 2000, 128>}, {pipeline_mode = #tpu.pipeline_mode<synchronous>, transform_indices = @transform_2, window_bounds = array<i64: 128, 128>}, {pipeline_mode = #tpu.pipeline_mode<synchronous>, transform_indices = @transform_3, window_bounds = array<i64: 1, 128>}, {transform_indices = @transform_4, window_bounds = array<i64: 2000, 128>}]} {
    %get3A = arith.constant 0 : index
    %get3A_0 = arith.constant 0 : index
    %get3A_1 = vector.load %arg1[%get3A, %get3A_0] : memref<2000x1xf32, #tpu.memory_space<vmem>>, vector<2000x1xf32>
    %get3A_2 = arith.constant 0 : index
    %get3A_3 = arith.constant 0 : index
    %get3A_4 = vector.load %arg2[%get3A_2, %get3A_3] : memref<2000x128xf32, #tpu.memory_space<vmem>>, vector<2000x128xf32>
    %mul3A = vector.broadcast %get3A_1 : vector<2000x1xf32> to vector<2000x128xf32>
    %mul3A_5 = arith.mulf %mul3A, %get3A_4 : vector<2000x128xf32>
    %convert_element_type3A = arith.truncf %mul3A_5 : vector<2000x128xf32> to vector<2000x128xbf16>
    %get3A_6 = arith.constant 0 : index
    %get3A_7 = arith.constant 0 : index
    %get3A_8 = vector.load %arg3[%get3A_6, %get3A_7] : memref<128x128xf32, #tpu.memory_space<vmem>>, vector<128x128xf32>
    %convert_element_type3A_9 = arith.truncf %get3A_8 : vector<128x128xf32> to vector<128x128xbf16>
    %dot_general3A = arith.constant dense<0.000000e+00> : vector<2000x128xf32>
    %dot_general3A_10 = tpu.matmul %convert_element_type3A, %convert_element_type3A_9, %dot_general3A {dimension_numbers = #tpu.dot_dimension_numbers<[1], [1], [0], [0], [0, 0, 1, 0], [], []>, transpose_lhs_hint = false} : vector<2000x128xbf16>, vector<128x128xbf16>, vector<2000x128xf32> -> vector<2000x128xf32>
    %get3A_11 = arith.constant 0 : index
    %get3A_12 = arith.constant 0 : index
    %get3A_13 = vector.load %arg4[%get3A_11, %get3A_12] : memref<1x128xf32, #tpu.memory_space<vmem>>, vector<1x128xf32>
    %add3A = vector.broadcast %get3A_13 : vector<1x128xf32> to vector<2000x128xf32>
    %add3A_14 = arith.addf %dot_general3A_10, %add3A : vector<2000x128xf32>
    %gt3A = arith.constant 0.000000e+00 : f32
    %gt3A_15 = vector.broadcast %gt3A : f32 to vector<2000x128xf32>
    %gt3A_16 = arith.cmpf ogt, %add3A_14, %gt3A_15 : vector<2000x128xf32>
    %mul3A_17 = arith.constant 0.00999999977 : f32
    %mul3A_18 = vector.broadcast %mul3A_17 : f32 to vector<2000x128xf32>
    %mul3A_19 = arith.mulf %mul3A_18, %add3A_14 : vector<2000x128xf32>
    %select_n3A = arith.select %gt3A_16, %add3A_14, %mul3A_19 : vector<2000x128xi1>, vector<2000x128xf32>
    %swap3A = arith.constant 0 : index
    %swap3A_20 = arith.constant 0 : index
    %swap3A_21 = vector.load %arg5[%swap3A, %swap3A_20] : memref<2000x128xf32, #tpu.memory_space<vmem>>, vector<2000x128xf32>
    tpu.vector_store %arg5[%swap3A, %swap3A_20], %select_n3A {strides = array<i32>} : memref<2000x128xf32, #tpu.memory_space<vmem>>, vector<2000x128xf32>,
    return
  }
  func.func @transform_0(%arg0: i32) -> (i32, i32) {
    %c0_i32 = arith.constant 0 : i32
    %c0_i32_0 = arith.constant 0 : i32
    return %arg0, %c0_i32 : i32, i32
  }
  func.func @transform_1(%arg0: i32) -> (i32, i32) {
    %c0_i32 = arith.constant 0 : i32
    %c0_i32_0 = arith.constant 0 : i32
    return %arg0, %c0_i32 : i32, i32
  }
  func.func @transform_2(%arg0: i32) -> (i32, i32) {
    %c0_i32 = arith.constant 0 : i32
    %c0_i32_0 = arith.constant 0 : i32
    %c0_i32_1 = arith.constant 0 : i32
    return %c0_i32, %c0_i32_0 : i32, i32
  }
  func.func @transform_3(%arg0: i32) -> (i32, i32) {
    %c0_i32 = arith.constant 0 : i32
    %c0_i32_0 = arith.constant 0 : i32
    %c0_i32_1 = arith.constant 0 : i32
    return %c0_i32, %c0_i32_0 : i32, i32
  }
  func.func @transform_4(%arg0: i32) -> (i32, i32) {
    %c0_i32 = arith.constant 0 : i32
    %c0_i32_0 = arith.constant 0 : i32
    return %arg0, %c0_i32 : i32, i32
  }
}

</mosaic_0001>

<sc_bundles>
// kernel: gather_offload_async_start.1
scs
__scs_entry_jumppad:
0x0: {  	(pc) =	sbr.rel $0x88, $3  }
0x1: {  	(tag) =	ssettag $0x0;
	lr =	simm.s32 $0x1  }
0x2: {  	[smem:$0x3F96] =	sst lr;
	_ =	strace $0xD0000000  }
0x3: {  	_ = 	snop  }
0x4: {  	_ = 	snop  }
0x5: {  	_ = 	snop  }
0x6: {  	_ = 	snop  }
0x7: {  	_ = 	snop  }
__scs_overlays_trampoline_lowered:
0x8: {  	[smem:$0x3FA5] =	sst s0  }
0x9: {  	[smem:$0x3FA6] =	sst s1  }
0xa: {  	[smem:$0x3FA7] =	sst s2  }
0xb: {  	[smem:$0x3FA8] =	sst s3  }
0xc: {  	[smem:$0x3FA9] =	sst s4  }
0xd: {  	[smem:$0x3FAA] =	sst s5  }
0xe: {  	[smem:$0x3FAB] =	sst s6  }
0xf: {  	[smem:$0x3FAC] =	sst s7  }
0x10: {  	[smem:$0x3FAD] =	sst s8  }
0x11: {  	[smem:$0x3FAE] =	sst s9;
	s0 =	simm.s32 @!p0 $0x0  }
0x12: {  	s1 =	sld [smem:$0x3F94];
	s0 =	simm.s32 @p0 $0x1  }
0x13: {  	[smem:$0x3FAF] =	sst s0;
	s0 =	simm.s32 @!p1 $0x0  }
0x14: {  	s2 =	sld [smem:$0x3F93];
	s0 =	simm.s32 @p1 $0x1  }
0x15: {  	[smem:$0x3FB0] =	sst s0;
	s0 =	simm.s32 @!p2 $0x0  }
0x16: {  	s3 =	sld [smem:$0x3FDB];
	s0 =	simm.s32 @p2 $0x1  }
0x17: {  	s4 =	simm.s32 $0x1BF5;
	[smem:$0x3FB2] =	sst s0  }
0x18: {  	s0 =	sld [smem:$0x3F95];
	_ =	swait.ge [sflag:s4], $0x0  }
0x19: {  	s7 =	sld [smem:$0x3F96]  }
0x1a: {  	s8 =	sadd.s32 $0xFFFFE003, lr  }
0x1b: {  	s9 =	sadd.s32 $0xFFFFFEF7, lr;
	s5 =	simm.s32 $0xFFFFFFFF;
	p2 =	slt.u32 s8, $0xFFFFF086  }
0x1c: {  	p1 =	slt.u32 s9, $0xF7A;
	s5 =	simm.s32 @!p2 $0x0  }
0x1d: {  	s5 =	simm.s32 @p1 $0x1;
	p0 =	seq.s32 s7, s2  }
0x1e: {  	s7 =	smul.u32 @!p0 $0xF7A, s2;
	p2 =	seq.s32 @!p0 s5, $0x0  }
0x1f: {  	s9 =	smul.u32 $0xF7A, s1;
	s8 =	simm.s32 @!p0 $0x1BF5;
	p2 =	por !p2, p0  }
0x20: {  	[sflag:s8] =	ssyncset.s32 @!p0 $0xFFFFF086;
	s6 =	sadd.s32 @!p0 s3, s7;
	s7 =	simm.s32 @!p0 $0x108  }
0x21: {  	s3 =	sadd.s32 s3, s9;
	s6 =	sadd.s32 @!p0 $0x88, s6;
	s7 =	simm.s32 @p2 $0x1082  }
0x22: {  	[simem:s7], [sflag:s8] =	dma.local @!p0 [hbm:s6], $0xF7A  }
0x23: {  	s9 =	sor.u32 $0xD0000000, s2;
	s6 =	simm.s32 $0x108;
	_ =	swait.ge @!p0 [sflag:s8], $0x0  }
0x24: {  	s3 =	sadd.s32 $0x88, s3;
	s6 =	simm.s32 @!p1 $0x1082;
	[sflag:s4] =	ssyncset.s32 $0xFFFFF086  }
0x25: {  	[simem:s6], [sflag:s4] =	dma.local [hbm:s3], $0xF7A  }
0x26: {  	[smem:$0x3F96] =	sst s1;
	(tag) =	ssettag s2;
	_ =	strace s9  }
0x27: {  	s1 =	sld [smem:$0x3FA6]  }
0x28: {  	s2 =	sld [smem:$0x3FA7]  }
0x29: {  	s4 =	sld [smem:$0x3FA9]  }
0x2a: {  	p0 =	seq.s32 s5, $0x0;
	s5 =	sld [smem:$0x3FAA]  }
0x2b: {  	s6 =	sld [smem:$0x3FAB]  }
0x2c: {  	s7 =	sld [smem:$0x3FAC]  }
0x2d: {  	s3 =	simm.s32 $0x108;
	s8 =	sld [smem:$0x3FAD]  }
0x2e: {  	s3 =	simm.s32 @!p0 $0x1082;
	s9 =	sld [smem:$0x3FAE]  }
0x2f: {  	lr =	sadd.s32 s0, s3;
	s0 =	sld [smem:$0x3FA5]  }
0x30: {  	s3 =	sld [smem:$0x3FA8]  }
0x31: {  	[smem:$0x3FB1] =	sst s10  }
0x32: {  	s10 =	sld [smem:$0x3FAF];
	_ =	sdelay $0x3  }
0x33: {  	p0 =	seq.s32 s10, $0x1;
	s10 =	sld [smem:$0x3FB1];
	_ =	sdelay $0x3  }
0x34: {  	[smem:$0x3FB1] =	sst s10  }
0x35: {  	s10 =	sld [smem:$0x3FB0];
	_ =	sdelay $0x3  }
0x36: {  	p1 =	seq.s32 s10, $0x1;
	s10 =	sld [smem:$0x3FB1];
	_ =	sdelay $0x3  }
0x37: {  	[smem:$0x3FB1] =	sst s10  }
0x38: {  	s10 =	sld [smem:$0x3FB2]  }
0x39: {  	_ = 	snop;
	(pc) =	sbr.ind lr, $3  }
0x3a: {  	_ = 	snop  }
0x3b: {  	_ = 	snop  }
0x3c: {  	p2 =	seq.s32 s10, $0x1;
	s10 =	sld [smem:$0x3FB1]  }
0x3d: {  	_ =	shalt  }
0x3e: {  	_ =	shalt  }
0x3f: {  	_ =	shalt  }
0x40: {  	_ =	shalt  }
0x41: {  	_ =	shalt  }
0x42: {  	_ =	shalt  }
0x43: {  	_ =	shalt  }
0x44: {  	_ =	shalt  }
0x45: {  	_ =	shalt  }
0x46: {  	_ =	shalt  }
0x47: {  	_ =	shalt  }
0x48: {  	_ =	shalt  }
0x49: {  	_ =	shalt  }
0x4a: {  	_ =	shalt  }
0x4b: {  	_ =	shalt  }
0x4c: {  	_ =	shalt  }
0x4d: {  	_ =	shalt  }
0x4e: {  	_ =	shalt  }
0x4f: {  	_ =	shalt  }
0x50: {  	_ =	shalt  }
0x51: {  	_ =	shalt  }
0x52: {  	_ =	shalt  }
0x53: {  	_ =	shalt  }
0x54: {  	_ =	shalt  }
0x55: {  	_ =	shalt  }
0x56: {  	_ =	shalt  }
0x57: {  	_ =	shalt  }
0x58: {  	_ =	shalt  }
0x59: {  	_ =	shalt  }
0x5a: {  	_ =	shalt  }
0x5b: {  	_ =	shalt  }
0x5c: {  	_ =	shalt  }
0x5d: {  	_ =	shalt  }
0x5e: {  	_ =	shalt  }
0x5f: {  	_ =	shalt  }
0x60: {  	_ =	shalt  }
0x61: {  	_ =	shalt  }
0x62: {  	_ =	shalt  }
0x63: {  	_ =	shalt  }
0x64: {  	_ =	shalt  }
0x65: {  	_ =	shalt  }
0x66: {  	_ =	shalt  }
0x67: {  	_ =	shalt  }
0x68: {  	_ =	shalt  }
0x69: {  	_ =	shalt  }
0x6a: {  	_ =	shalt  }
0x6b: {  	_ =	shalt  }
0x6c: {  	_ =	shalt  }
0x6d: {  	_ =	shalt  }
0x6e: {  	_ =	shalt  }
0x6f: {  	_ =	shalt  }
0x70: {  	_ =	shalt  }
0x71: {  	_ =	shalt  }
0x72: {  	_ =	shalt  }
0x73: {  	_ =	shalt  }
0x74: {  	_ =	shalt  }
0x75: {  	_ =	shalt  }
0x76: {  	_ =	shalt  }
0x77: {  	_ =	shalt  }
0x78: {  	_ =	shalt  }
0x79: {  	_ =	shalt  }
0x7a: {  	_ =	shalt  }
0x7b: {  	_ =	shalt  }
0x7c: {  	_ =	shalt  }
0x7d: {  	_ =	shalt  }
0x7e: {  	_ =	shalt  }
0x7f: {  	_ =	shalt  }
0x80: {  	_ =	shalt  }
0x81: {  	_ =	shalt  }
0x82: {  	_ =	shalt  }
0x83: {  	_ =	shalt  }
0x84: {  	_ =	shalt  }
0x85: {  	_ =	shalt  }
0x86: {  	_ =	shalt  }
0x87: {  	_ =	shalt  }
.Lfunc_end0:
.L_simem_size_0:
called_computation.4_lowered:
.L_overlay_start_0:
0x88: {  	s2 =	sld [smem:$0x3FD9]  }
0x89: {  	s3 =	sld [smem:$0x3FFE];
	_ =	sdelay $0x1  }
0x8a: {  	s1 =	srdreg.scid  }
0x8b: {  	s0 =	sand.u32 $0x1, s1  }
0x8c: {  	s15 =	sshll.u32 s0, $0xA;
	s2 =	sadd.s32 s3, s2  }
0x8d: {  	s2 =	sadd.s32 s2, s15  }
0x8e: {  	[smem:$0x3FBD] =	sst s2  }
0x8f: {  	_ = 	snop  }
0x90: {  	s2 =	sld [smem:$0x3FD0];
	_ =	sdelay $0x2  }
0x91: {  	s16 =	simm.s32 $0xB;
	s4 =	simm.s32 $0x10  }
0x92: {  	[smem:s4], [sflag:s16] =	dma.local [hbm:s2], $0x1  }
0x93: {  	_ =	swait.eq [sflag:s16], $0x1  }
0x94: {  	[sflag:s16] =	ssyncset.done $0x0  }
0x95: {  	[sflag:s16] =	ssyncadd.s32 $0xFFFFFFFF  }
0x96: {  	s17 =	sld [smem:$0x11];
	(tm) =	ssettm $0x1  }
0x97: {  	s18 =	sld [smem:$0x3FFB];
	_ =	sdelay $0x3  }
0x98: {  	_ =	strace s18  }
0x99: {  	s2 =	sld [smem:$0x3FFC];
	_ =	sdelay $0x3  }
0x9a: {  	_ =	strace s2  }
0x9b: {  	s2 =	sld [smem:$0x3FFD];
	_ =	sdelay $0x3  }
0x9c: {  	_ =	strace s2  }
0x9d: {  	_ =	strace $0x8FFFFFFF  }
0x9e: {  	s19 =	sld [smem:$0x3FDB];
	_ =	sdelay $0x1  }
0x9f: {  	s20 =	simm.s32 $_scs_section_size  }
0xa0: {  	s5 =	simm.s32 $_size__tile_overlayer_lowered;
	s6 =	simm.s32 $_tile_overlayer_lowered  }
0xa1: {  	s7 =	simm.s32 $0x1BFF;
	s21 =	sshll.u32 s6, $0x1;
	s4 =	sadd.s32 s20, s19  }
0xa2: {  	s22 =	simm.s32 $0x0;
	s5 =	sshll.u32 s5, $0x1;
	s6 =	sadd.s32 s21, s4  }
0xa3: {  	[timem:s22], [sflag:s7] =	dma.local [hbm:s6], s5  }
0xa4: {  	_ =	swait.ge [sflag:s7], s5  }
0xa5: {  	s5 =	ssub.s32 $0x0, s5;
	[sflag:s7] =	ssyncset.done $0x0  }
0xa6: {  	[sflag:s7] =	ssyncadd.s32 s5;
	_ =	sdelay $0x1  }
0xa7: {  	s23 =	simm.s32 $0x1B8B  }
0xa8: {  	_ =	swait.ge [sflag:s23], $0x1  }
0xa9: {  	[sflag:s23] =	ssyncset.done $0x0  }
0xaa: {  	[sflag:s23] =	ssyncadd.s32 $0xFFFFFFFF  }
0xab: {  	s5 =	sld [smem:$0x0]  }
0xac: {  	s6 =	sand.u32 $0xFFFFFFFE, s1  }
0xad: {  	p0 =	sne.s32 s1, s6  }
0xae: {  	s6 =	sshll.u32 @p0 s6, $0xE  }
0xaf: {  	s6 =	sadd.s32 @p0 $0x11B8D, s6;
	s7 =	sshll.u32 @p0 s5, $0x11  }
0xb0: {  	s6 =	sor.u32 @p0 s7, s6  }
0xb1: {  	[sflag:s6] =	ssyncadd.remote.s32 @p0 $0x1;
	_ =	sdelay $0x1  }
0xb2: {  	s6 =	simm.s32 @p0 $0x1B8D  }
0xb3: {  	_ =	swait.eq @p0 [sflag:s6], $0x1  }
0xb4: {  	[sflag:s6] =	ssyncadd.s32 @p0 $0xFFFFFFFF  }
0xb5: {  	s7 =	sshll.u32 @!p0 s1, $0xE  }
0xb6: {  	s7 =	sor.u32 @!p0 $0x4000, s7;
	s6 =	simm.s32 @!p0 $0x1B8D  }
0xb7: {  	s5 =	sshll.u32 @!p0 s5, $0x11;
	s7 =	sadd.s32 @!p0 $0x11B8D, s7;
	_ =	swait.eq @!p0 [sflag:s6], $0x1  }
0xb8: {  	s5 =	sor.u32 @!p0 s5, s7;
	[sflag:s6] =	ssyncadd.s32 @!p0 $0xFFFFFFFF  }
0xb9: {  	s25 =	simm.s32 $0x1B8E;
	s24 =	sld [smem:$0x3FFE];
	[sflag:s5] =	ssyncadd.remote.s32 @!p0 $0x1  }
0xba: {  	s26 =	simm.s32 $execute0_lowered;
	[smem:$0x3FD2] =	sst s25  }
0xbb: {  	s6 =	sshll.u32 s26, $0x1;
	_ =	strace $0x80000049;
	[dreg:$0x1] =	wrdreg $0xFFFFFFFF  }
0xbc: {  	s28 =	simm.s32 $_size_execute0_lowered;
	s4 =	sadd.s32 s4, s6;
	[dreg:$0x0] =	wrdreg $0x0  }
0xbd: {  	s6 =	sshll.u32 s28, $0x1;
	[dreg:$0x2] =	wrdreg s4  }
0xbe: {  	[dreg:$0x3] =	wrdreg s6  }
0xbf: {  	[dreg:$0x4] =	wrdreg $0xC0  }
0xc0: {  	_ =	task [dreg:s22], $0x5FFFF  }
0xc1: {  	[dreg:$0x1] =	wrdreg $0xFFFFFFFF  }
0xc2: {  	[dreg:$0x0] =	wrdreg $0x60  }
0xc3: {  	[dreg:$0x2] =	wrdreg s24  }
0xc4: {  	[dreg:$0x3] =	wrdreg s17  }
0xc5: {  	[dreg:$0x4] =	wrdreg $0xA  }
0xc6: {  	_ =	task.clear_ibuf [dreg:s22], $0x5FFFF;
	_ =	strace $0x90000049  }
0xc7: {  	s29 =	simm.s32 $0xA;
	_ =	strace $0x8000004B  }
0xc8: {  	_ =	swait.ge [sflag:s29], $0x1  }
0xc9: {  	[sflag:s29] =	ssyncadd.s32 $0xFFFFFFFF  }
0xca: {  	_ =	strace $0x9000004B  }
0xcb: {  	_ =	sfence  }
0xcc: {  	s30 =	sld [smem:$0x0];
	_ =	sdelay $0x2  }
0xcd: {  	s31 =	sshll.u32 s1, $0xD;
	s1 =	sshrl.u32 s1, $0x2  }
0xce: {  	s4 =	sand.u32 $0x4000, s31;
	s1 =	sadd.s32 s1, s30  }
0xcf: {  	s0 =	sor.u32 s4, s0;
	s1 =	sshll.u32 s1, $0x11  }
0xd0: {  	s0 =	sor.u32 s1, s0  }
0xd1: {  	s0 =	sadd.s32 $0x8F2B, s0  }
0xd2: {  	[sflag:s0] =	ssyncadd.remote.s32 $0x1  }
0xd3: {  	_ =	sfence.sel $0xFFFF  }
0xd4: {  	[dreg:$0x0] =	wrdreg $0xFFFFFFFF;
	(pc) =	sbr.abs _section_cstart, $3  }
0xd5: {  	[dreg:$0x1] =	wrdreg $0xFFFFFFFF  }
0xd6: {  	_ =	task.clear_ibuf [dreg:s22], $0x2FFFF;
	_ =	strace $0x9FFFFFFF  }
0xd7: {  	(tm) =	ssettm $0x7FFFFFFF  }
tec
execute0_lowered:
.L_overlay_start_1:
0x0: {  	(tag) =	ssettag $0x1  }
0x1: {  	s8 =	rddreg [dreg:$0x0]  }
0x2: {  	s2 =	rddreg [dreg:$0x1]  }
0x3: {  	s0 =	rddreg [dreg:$0x2];
	s1 =	stileid.u32  }
0x4: {  	s3 =	srdreg.scid;
	_ =	strace $0x8000004A;
	s4 =	simm.s32 $0x1  }
0x5: {  	s7 =	simm.s32 $0x1;
	s9 =	simm.s32 $0x1;
	s10 =	simm.s32 $0x3  }
0x6: {  	s13 =	simm.s32 $0x0;
	s5 =	sand.u32 $0x1, s3;
	s6 =	sshll.u32 s1, $0x1  }
0x7: {  	s12 =	simm.s32 $0x0;
	s3 =	sadd.s32 $0xA13800, s8;
	s5 =	sor.u32 s6, s5  }
.Ltmp0:
0x8: {  	[sflag:s4] =	ssyncpa.u1 $0x0;
	p0 =	slt.u32 s5, $0x9;
	(pc) =	sbr.rel .LBB2_1-.Ltmp0, $4  }
0x9: {  	s6 =	simm.s32 $0x2;
	s7 =	simm.s32 @!p0 $0x0;
	p0 =	sne.s32 s5, $0x8  }
0xa: {  	[sflag:s6] =	ssyncpa.u1 $0x0;
	s5 =	smul.u32 $0x1F40, s5;
	s9 =	simm.s32 @!p0 $0x0  }
0xb: {  	s8 =	sadd.s32 $0x15200, s8;
	[sflag:s10] =	ssyncpa.u1 $0x0;
	s7 =	sadd.s32 s9, s7  }
0xc: {  	vm0 =	vmmov $0xffff;
	s10 =	simm.s32 $0x0;
	s11 =	smov.u32 s5;
	s9 =	sadd.s32 $0x1, s7  }
.LBB2_4:
0xd: {  	vm1 =	veq.s32 v0, $0x80000000;
	v63 =	vand.u32 $0x7FFFF, v0;
	v2 =	vand.u32 $0xFF, v2  }
0xe: {  	v0 =	vsel vm1, $0xFFFFFFFF, v63;
	v2 =	vsel vm1, $0xFFFFFFFF, v2  }
0xf: {  	v3 =	vshll.u32 v0, $0x8;
	v4 =	vshll.u32 v2, $0x3  }
0x10: {  	v0 =	vshll.u32 v0, $0x7;
	v3 =	vand.u32 $0xFFFFF800, v3;
	v4 =	vand.u32 $0xFFFFFC00, v4  }
0x11: {  	v0 =	vand.u32 $0x380, v0;
	v3 =	vadd.s32 v3, v4  }
0x12: {  	v2 =	vand.u32 $0x7F, v2;
	v0 =	vor.u32 v0, v3  }
0x13: {  	v0 =	vor.u32 v2, v0;
	_ =	sdelay $0x1  }
0x14: {  	(ifvalue) =	ssetifvalue $0x7FFFFFFF;
	s15 =	sadd.s32 $0x10, s15  }
0x15: {  	[tilespmem:s15], [sflag:$0x1] =	stream.indirect_vreg.gather [hbm4b:s3+s10], $0x1, v1, vm0, $0x4038;
	[tilespmem:$0x7D00] =	vst v63  }
0x16: {  	(ifvalue) =	ssetifvalue $0x7FFFFFFF;
	s15 =	sadd.s32 $0x10, s15  }
0x17: {  	[tilespmem:s15], [sflag:$0x1] =	stream.indirect_vreg.gather [hbm4b:s3+s10], $0x1, v0, vm0, $0x4038;
	[tilespmem:$0x7D00] =	vst v63  }
0x18: {  	_ =	swait.ge [sflag:s4], $0x1F40  }
0x19: {  	s30 =	sshrl.u32 s13, $0x3;
	[sflag:s4] =	ssyncset.done $0x0  }
0x1a: {  	s31 =	sand.u32 $0x7, s13;
	s15 =	sadd.s32 s8, s30;
	[sflag:s4] =	ssyncadd.s32 $0xFFFFE0C0  }
0x1b: {  	[hbm4b:s15+s31] =	stream.linear.scatter [tilespmem:s14], [sflag:$0x3], $0x1F40, $0x38;
	[tilespmem:$0x7D00] =	vst v63  }
.LBB2_5:
0x1c: {  	s15 =	sadd.s32 $0x3E800, s11  }
0x1d: {  	p1 =	sgt.s32 s15, $0x4E1FF  }
0x1e: {  	s15 =	smov.u32 @p1 s5;
	p1 =	sne.s32 s12, s9  }
.Ltmp1:
0x1f: {  	p0 =	slt.u32 s12, $0x2;
	(pc) =	sbr.rel @!p1 .LBB2_6-.Ltmp1, $4  }
0x20: {  	s14 =	simm.s32 @!p0 $0x3  }
0x21: {  	_ =	swait.ge @!p0 [sflag:s14], $0x1F40  }
0x22: {  	s16 =	sadd.s32 $0x1, s12;
	s13 =	smov.u32 s11;
	[sflag:s14] =	ssyncset.done @!p0 $0x0  }
0x23: {  	s12 =	smov.u32 s16;
	s11 =	smov.u32 s15;
	[sflag:s14] =	ssyncadd.s32 @!p0 $0xFFFFE0C0  }
.LBB2_1:
0x24: {  	p0 =	sge.u32 s12, s7  }
0x25: {  	s14 =	sxor.u32 @!p0 $0x1, s12  }
0x26: {  	s14 =	smul.u32 @!p0 $0x7D00, s14  }
0x27: {  	s31 =	sadd.s32 $0xFFFFFFFF, s12;
	s15 =	sshrl.u32 @!p0 s11, $0x3  }
0x28: {  	s16 =	sand.u32 @!p0 $0x7, s11;
	s15 =	sadd.s32 @!p0 s2, s15;
	s14 =	sshra.s32 @!p0 s14, $0x2  }
0x29: {  	[tilespmem:s14], [sflag:$0x2] =	stream.linear.gather @!p0 [hbm4b:s15+s16], $0x1F40, $0x38;
	[tilespmem:$0x7D00] =	vst v63  }
0x2a: {  	p0 =	sge.u32 s31, s7  }
.Ltmp2:
0x2b: {  	_ = 	snop;
	(pc) =	sbr.rel @p0 .LBB2_5-.Ltmp2, $1  }
0x2c: {  	_ =	sdelay $0x3  }
0x2d: {  	s14 =	sand.u32 $0x1, s12  }
0x2e: {  	_ =	swait.ge [sflag:s6], $0x1F40;
	p0 =	seq.s32 s14, $0x1;
	s14 =	simm.s32 $0x1F40  }
0x2f: {  	[sflag:s6] =	ssyncset.done $0x0;
	s14 =	simm.s32 @!p0 $0x0  }
0x30: {  	[sflag:s6] =	ssyncadd.s32 $0xFFFFE0C0;
	(ifvalue) =	ssetifvalue $0x7FFFFFFF;
	v0 =	vld.msk [tilespmem:s14+$0x0 ss:$0x1], $0xffff;
	_ =	sdelay $0x3  }
0x31: {  	s15 =	sadd.s32 $0x10, s14  }
0x32: {  	v2 =	vld.msk [tilespmem:s15+$0x0 ss:$0x1], $0xffff;
	v1 =	vshrl.u32 v0, $0x13  }
0x33: {  	vm1 =	veq.s32 v0, $0x80000000;
	v0 =	vand.u32 $0x7FFFF, v0;
	v1 =	vand.u32 $0xFF, v1  }
0x34: {  	v0 =	vsel vm1, $0xFFFFFFFF, v0;
	v1 =	vsel vm1, $0xFFFFFFFF, v1  }
0x35: {  	v3 =	vshll.u32 v0, $0x8;
	v4 =	vshll.u32 v1, $0x3  }
0x36: {  	v0 =	vshll.u32 v0, $0x7;
	v3 =	vand.u32 $0xFFFFF800, v3;
	v4 =	vand.u32 $0xFFFFFC00, v4  }
0x37: {  	vm1 =	veq.s32 v2, $0x80000000;
	v0 =	vand.u32 $0x380, v0;
	v3 =	vadd.s32 v3, v4  }
0x38: {  	v1 =	vand.u32 $0x7F, v1;
	v0 =	vor.u32 v0, v3;
	v3 =	vshrl.u32 v2, $0x13  }
0x39: {  	s15 =	sadd.s32 $0x10, s15;
	v2 =	vand.u32 $0x7FFFF, v2;
	v1 =	vor.u32 v1, v0;
	v3 =	vand.u32 $0xFF, v3  }
0x3a: {  	v0 =	vld.msk [tilespmem:s15+$0x0 ss:$0x1], $0xffff;
	v2 =	vsel vm1, $0xFFFFFFFF, v2;
	v3 =	vsel vm1, $0xFFFFFFFF, v3  }
0x3b: {  	v63 =	vshll.u32 v2, $0x8;
	v5 =	vshll.u32 v3, $0x3  }
0x3c: {  	v2 =	vshll.u32 v2, $0x7;
	v4 =	vand.u32 $0xFFFFF800, v63;
	v5 =	vand.u32 $0xFFFFFC00, v5  }
0x3d: {  	s14 =	sadd.s32 $0x3E80, s14;
	(ifvalue) =	ssetifvalue $0x7FFFFFFF;
	v2 =	vand.u32 $0x380, v2;
	v4 =	vadd.s32 v4, v5  }
0x3e: {  	[tilespmem:s14], [sflag:$0x1] =	stream.indirect_vreg.gather [hbm4b:s3+s10], $0x1, v1, vm0, $0x4038;
	v1 =	vand.u32 $0x7F, v3;
	v3 =	vor.u32 v2, v4;
	[tilespmem:$0x7D00] =	vst v63  }
0x3f: {  	s16 =	simm.s32 $0x20;
	s17 =	sadd.s32 $0x10, s15;
	s15 =	smov.u32 s14;
	v2 =	vshrl.u32 v0, $0x13;
	v1 =	vor.u32 v1, v3  }
.LBB2_3:
0x40: {  	s16 =	sadd.s32 $0x10, s16;
	vm1 =	veq.s32 v0, $0x80000000;
	v3 =	vand.u32 $0x7FFFF, v0;
	v0 =	vld.msk [tilespmem:s17+$0x0 ss:$0x1], $0xffff;
	v2 =	vand.u32 $0xFF, v2  }
0x41: {  	p0 =	slt.u32 s16, $0x1F30;
	v3 =	vsel vm1, $0xFFFFFFFF, v3;
	v2 =	vsel vm1, $0xFFFFFFFF, v2  }
.Ltmp3:
0x42: {  	v4 =	vshll.u32 v3, $0x8;
	v5 =	vshll.u32 v2, $0x3;
	(pc) =	sbr.rel @p0 .LBB2_3-.Ltmp3, $4  }
0x43: {  	s15 =	sadd.s32 $0x10, s15;
	v3 =	vshll.u32 v3, $0x7;
	v4 =	vand.u32 $0xFFFFF800, v4;
	v5 =	vand.u32 $0xFFFFFC00, v5;
	(ifvalue) =	ssetifvalue $0x7FFFFFFF  }
0x44: {  	v3 =	vand.u32 $0x380, v3;
	v4 =	vadd.s32 v4, v5;
	[tilespmem:s15], [sflag:$0x1] =	stream.indirect_vreg.gather [hbm4b:s3+s10], $0x1, v1, vm0, $0x4038;
	[tilespmem:$0x7D00] =	vst v63  }
0x45: {  	v1 =	vand.u32 $0x7F, v2;
	v3 =	vor.u32 v3, v4  }
0x46: {  	s17 =	sadd.s32 $0x10, s17;
	v2 =	vshrl.u32 v0, $0x13;
	v1 =	vor.u32 v1, v3  }
.Ltmp4:
0x47: {  	_ = 	snop;
	(pc) =	sbr.rel .LBB2_4-.Ltmp4, $1  }
0x48: {  	_ =	sdelay $0x3  }
.LBB2_6:
0x49: {  	_ =	sfence.sel $0x180000  }
0x4a: {  	s2 =	simm.s32 $0x2;
	[bflag:$0x0] =	sbarrier.arrive $0xFFFF  }
0x4b: {  	s30 =	simm.s32 $0x3;
	[sflag:s2] =	ssyncpa.u1 $0x1  }
0x4c: {  	s31 =	simm.s32 $0x1;
	[sflag:s30] =	ssyncpa.u1 $0x1  }
0x4d: {  	[sflag:s31] =	ssyncpa.u1 $0x1  }
0x4e: {  	p0 =	sne.s32 s1, $0x0;
	_ =	strace $0x9000004A  }
0x4f: {  	s0 =	sadd.s32 @!p0 $0x100000, s0;
	[bflag:$0x2] =	sbarrier.arrive $0xFFFF  }
0x50: {  	[sflag:s0] =	ssyncadd.tile.s32 @!p0 $0x1;
	_ =	shalt  }
.Lfunc_end2:
_tile_overlayer_lowered:
.L_overlay_start_2:
0x51: {  	(tag) =	ssettag $0x2  }
0x52: {  	s0 =	rddreg [dreg:$0x0];
	s2 =	stileid.u32  }
0x53: {  	s1 =	rddreg [dreg:$0x1];
	p0 =	sne.s32 s2, $0x0  }
0x54: {  	s3 =	rddreg [dreg:$0x2];
	[bflag:$0x3] =	sbarrier.arrive $0xFFFF;
	s2 =	simm.s32 @!p0 $0x1C01  }
0x55: {  	[timem:s3], [sflag:s2] =	dma.local @!p0 [hbm:s0], s1  }
0x56: {  	s0 =	simm.s32 @!p0 $0x1  }
0x57: {  	_ =	swait.ge @!p0 [sflag:s0], s1  }
0x58: {  	s1 =	ssub.s32 @!p0 $0x0, s1;
	[sflag:s0] =	ssyncset.done @!p0 $0x0  }
0x59: {  	[sflag:s0] =	ssyncadd.s32 @!p0 s1  }
0x5a: {  	[bflag:$0x3] =	sbarrier.arrive $0xFFFF  }
0x5b: {  	_ =	shalt  }

// kernel: gather_offload_async_start
scs
__scs_entry_jumppad:
0x0: {  	(pc) =	sbr.rel $0x88, $3  }
0x1: {  	(tag) =	ssettag $0x0;
	lr =	simm.s32 $0x1  }
0x2: {  	[smem:$0x3F96] =	sst lr;
	_ =	strace $0xD0000000  }
0x3: {  	_ = 	snop  }
0x4: {  	_ = 	snop  }
0x5: {  	_ = 	snop  }
0x6: {  	_ = 	snop  }
0x7: {  	_ = 	snop  }
__scs_overlays_trampoline_lowered:
0x8: {  	[smem:$0x3FA5] =	sst s0  }
0x9: {  	[smem:$0x3FA6] =	sst s1  }
0xa: {  	[smem:$0x3FA7] =	sst s2  }
0xb: {  	[smem:$0x3FA8] =	sst s3  }
0xc: {  	[smem:$0x3FA9] =	sst s4  }
0xd: {  	[smem:$0x3FAA] =	sst s5  }
0xe: {  	[smem:$0x3FAB] =	sst s6  }
0xf: {  	[smem:$0x3FAC] =	sst s7  }
0x10: {  	[smem:$0x3FAD] =	sst s8  }
0x11: {  	[smem:$0x3FAE] =	sst s9;
	s0 =	simm.s32 @!p0 $0x0  }
0x12: {  	s1 =	sld [smem:$0x3F94];
	s0 =	simm.s32 @p0 $0x1  }
0x13: {  	[smem:$0x3FAF] =	sst s0;
	s0 =	simm.s32 @!p1 $0x0  }
0x14: {  	s2 =	sld [smem:$0x3F93];
	s0 =	simm.s32 @p1 $0x1  }
0x15: {  	[smem:$0x3FB0] =	sst s0;
	s0 =	simm.s32 @!p2 $0x0  }
0x16: {  	s3 =	sld [smem:$0x3FDB];
	s0 =	simm.s32 @p2 $0x1  }
0x17: {  	s4 =	simm.s32 $0x1BF5;
	[smem:$0x3FB2] =	sst s0  }
0x18: {  	s0 =	sld [smem:$0x3F95];
	_ =	swait.ge [sflag:s4], $0x0  }
0x19: {  	s7 =	sld [smem:$0x3F96]  }
0x1a: {  	s8 =	sadd.s32 $0xFFFFE003, lr  }
0x1b: {  	s9 =	sadd.s32 $0xFFFFFEF7, lr;
	s5 =	simm.s32 $0xFFFFFFFF;
	p2 =	slt.u32 s8, $0xFFFFF086  }
0x1c: {  	p1 =	slt.u32 s9, $0xF7A;
	s5 =	simm.s32 @!p2 $0x0  }
0x1d: {  	s5 =	simm.s32 @p1 $0x1;
	p0 =	seq.s32 s7, s2  }
0x1e: {  	s7 =	smul.u32 @!p0 $0xF7A, s2;
	p2 =	seq.s32 @!p0 s5, $0x0  }
0x1f: {  	s9 =	smul.u32 $0xF7A, s1;
	s8 =	simm.s32 @!p0 $0x1BF5;
	p2 =	por !p2, p0  }
0x20: {  	[sflag:s8] =	ssyncset.s32 @!p0 $0xFFFFF086;
	s6 =	sadd.s32 @!p0 s3, s7;
	s7 =	simm.s32 @!p0 $0x108  }
0x21: {  	s3 =	sadd.s32 s3, s9;
	s6 =	sadd.s32 @!p0 $0x88, s6;
	s7 =	simm.s32 @p2 $0x1082  }
0x22: {  	[simem:s7], [sflag:s8] =	dma.local @!p0 [hbm:s6], $0xF7A  }
0x23: {  	s9 =	sor.u32 $0xD0000000, s2;
	s6 =	simm.s32 $0x108;
	_ =	swait.ge @!p0 [sflag:s8], $0x0  }
0x24: {  	s3 =	sadd.s32 $0x88, s3;
	s6 =	simm.s32 @!p1 $0x1082;
	[sflag:s4] =	ssyncset.s32 $0xFFFFF086  }
0x25: {  	[simem:s6], [sflag:s4] =	dma.local [hbm:s3], $0xF7A  }
0x26: {  	[smem:$0x3F96] =	sst s1;
	(tag) =	ssettag s2;
	_ =	strace s9  }
0x27: {  	s1 =	sld [smem:$0x3FA6]  }
0x28: {  	s2 =	sld [smem:$0x3FA7]  }
0x29: {  	s4 =	sld [smem:$0x3FA9]  }
0x2a: {  	p0 =	seq.s32 s5, $0x0;
	s5 =	sld [smem:$0x3FAA]  }
0x2b: {  	s6 =	sld [smem:$0x3FAB]  }
0x2c: {  	s7 =	sld [smem:$0x3FAC]  }
0x2d: {  	s3 =	simm.s32 $0x108;
	s8 =	sld [smem:$0x3FAD]  }
0x2e: {  	s3 =	simm.s32 @!p0 $0x1082;
	s9 =	sld [smem:$0x3FAE]  }
0x2f: {  	lr =	sadd.s32 s0, s3;
	s0 =	sld [smem:$0x3FA5]  }
0x30: {  	s3 =	sld [smem:$0x3FA8]  }
0x31: {  	[smem:$0x3FB1] =	sst s10  }
0x32: {  	s10 =	sld [smem:$0x3FAF];
	_ =	sdelay $0x3  }
0x33: {  	p0 =	seq.s32 s10, $0x1;
	s10 =	sld [smem:$0x3FB1];
	_ =	sdelay $0x3  }
0x34: {  	[smem:$0x3FB1] =	sst s10  }
0x35: {  	s10 =	sld [smem:$0x3FB0];
	_ =	sdelay $0x3  }
0x36: {  	p1 =	seq.s32 s10, $0x1;
	s10 =	sld [smem:$0x3FB1];
	_ =	sdelay $0x3  }
0x37: {  	[smem:$0x3FB1] =	sst s10  }
0x38: {  	s10 =	sld [smem:$0x3FB2]  }
0x39: {  	_ = 	snop;
	(pc) =	sbr.ind lr, $3  }
0x3a: {  	_ = 	snop  }
0x3b: {  	_ = 	snop  }
0x3c: {  	p2 =	seq.s32 s10, $0x1;
	s10 =	sld [smem:$0x3FB1]  }
0x3d: {  	_ =	shalt  }
0x3e: {  	_ =	shalt  }
0x3f: {  	_ =	shalt  }
0x40: {  	_ =	shalt  }
0x41: {  	_ =	shalt  }
0x42: {  	_ =	shalt  }
0x43: {  	_ =	shalt  }
0x44: {  	_ =	shalt  }
0x45: {  	_ =	shalt  }
0x46: {  	_ =	shalt  }
0x47: {  	_ =	shalt  }
0x48: {  	_ =	shalt  }
0x49: {  	_ =	shalt  }
0x4a: {  	_ =	shalt  }
0x4b: {  	_ =	shalt  }
0x4c: {  	_ =	shalt  }
0x4d: {  	_ =	shalt  }
0x4e: {  	_ =	shalt  }
0x4f: {  	_ =	shalt  }
0x50: {  	_ =	shalt  }
0x51: {  	_ =	shalt  }
0x52: {  	_ =	shalt  }
0x53: {  	_ =	shalt  }
0x54: {  	_ =	shalt  }
0x55: {  	_ =	shalt  }
0x56: {  	_ =	shalt  }
0x57: {  	_ =	shalt  }
0x58: {  	_ =	shalt  }
0x59: {  	_ =	shalt  }
0x5a: {  	_ =	shalt  }
0x5b: {  	_ =	shalt  }
0x5c: {  	_ =	shalt  }
0x5d: {  	_ =	shalt  }
0x5e: {  	_ =	shalt  }
0x5f: {  	_ =	shalt  }
0x60: {  	_ =	shalt  }
0x61: {  	_ =	shalt  }
0x62: {  	_ =	shalt  }
0x63: {  	_ =	shalt  }
0x64: {  	_ =	shalt  }
0x65: {  	_ =	shalt  }
0x66: {  	_ =	shalt  }
0x67: {  	_ =	shalt  }
0x68: {  	_ =	shalt  }
0x69: {  	_ =	shalt  }
0x6a: {  	_ =	shalt  }
0x6b: {  	_ =	shalt  }
0x6c: {  	_ =	shalt  }
0x6d: {  	_ =	shalt  }
0x6e: {  	_ =	shalt  }
0x6f: {  	_ =	shalt  }
0x70: {  	_ =	shalt  }
0x71: {  	_ =	shalt  }
0x72: {  	_ =	shalt  }
0x73: {  	_ =	shalt  }
0x74: {  	_ =	shalt  }
0x75: {  	_ =	shalt  }
0x76: {  	_ =	shalt  }
0x77: {  	_ =	shalt  }
0x78: {  	_ =	shalt  }
0x79: {  	_ =	shalt  }
0x7a: {  	_ =	shalt  }
0x7b: {  	_ =	shalt  }
0x7c: {  	_ =	shalt  }
0x7d: {  	_ =	shalt  }
0x7e: {  	_ =	shalt  }
0x7f: {  	_ =	shalt  }
0x80: {  	_ =	shalt  }
0x81: {  	_ =	shalt  }
0x82: {  	_ =	shalt  }
0x83: {  	_ =	shalt  }
0x84: {  	_ =	shalt  }
0x85: {  	_ =	shalt  }
0x86: {  	_ =	shalt  }
0x87: {  	_ =	shalt  }
.Lfunc_end0:
.L_simem_size_0:
called_computation.3_lowered:
.L_overlay_start_0:
0x88: {  	s2 =	sld [smem:$0x3FD9]  }
0x89: {  	s3 =	sld [smem:$0x3FFE];
	_ =	sdelay $0x1  }
0x8a: {  	s1 =	srdreg.scid  }
0x8b: {  	s0 =	sand.u32 $0x1, s1  }
0x8c: {  	s14 =	sshll.u32 s0, $0xA;
	s2 =	sadd.s32 s3, s2  }
0x8d: {  	s2 =	sadd.s32 s2, s14  }
0x8e: {  	[smem:$0x3FBD] =	sst s2  }
0x8f: {  	_ = 	snop  }
0x90: {  	s2 =	sld [smem:$0x3FD0];
	_ =	sdelay $0x2  }
0x91: {  	s15 =	simm.s32 $0xB;
	s4 =	simm.s32 $0x10  }
0x92: {  	[smem:s4], [sflag:s15] =	dma.local [hbm:s2], $0x1  }
0x93: {  	_ =	swait.eq [sflag:s15], $0x1  }
0x94: {  	[sflag:s15] =	ssyncset.done $0x0  }
0x95: {  	[sflag:s15] =	ssyncadd.s32 $0xFFFFFFFF  }
0x96: {  	s16 =	sld [smem:$0x11];
	(tm) =	ssettm $0x1  }
0x97: {  	s17 =	sld [smem:$0x3FFB];
	_ =	sdelay $0x3  }
0x98: {  	_ =	strace s17  }
0x99: {  	s3 =	sld [smem:$0x3FFC];
	_ =	sdelay $0x3  }
0x9a: {  	_ =	strace s3  }
0x9b: {  	s3 =	sld [smem:$0x3FFD];
	_ =	sdelay $0x3  }
0x9c: {  	_ =	strace s3  }
0x9d: {  	_ =	strace $0x8FFFFFFF  }
0x9e: {  	s18 =	sld [smem:$0x3FDB];
	_ =	sdelay $0x1  }
0x9f: {  	s19 =	simm.s32 $_scs_section_size  }
0xa0: {  	s5 =	simm.s32 $_size__tile_overlayer_lowered;
	s6 =	simm.s32 $_tile_overlayer_lowered  }
0xa1: {  	s22 =	simm.s32 $0x1BFF;
	s21 =	sshll.u32 s6, $0x1;
	s3 =	sadd.s32 s19, s18  }
0xa2: {  	s7 =	simm.s32 $0x0;
	s20 =	sshll.u32 s5, $0x1;
	s5 =	sadd.s32 s21, s3  }
0xa3: {  	[timem:s7], [sflag:s22] =	dma.local [hbm:s5], s20  }
0xa4: {  	_ =	swait.ge [sflag:s22], s20  }
0xa5: {  	s4 =	ssub.s32 $0x0, s20;
	[sflag:s22] =	ssyncset.done $0x0  }
0xa6: {  	[sflag:s22] =	ssyncadd.s32 s4;
	_ =	sdelay $0x1  }
0xa7: {  	s23 =	simm.s32 $0x1B8B  }
0xa8: {  	_ =	swait.ge [sflag:s23], $0x1  }
0xa9: {  	[sflag:s23] =	ssyncset.done $0x0  }
0xaa: {  	s25 =	simm.s32 $0x1B8E;
	s24 =	sld [smem:$0x3FFE];
	[sflag:s23] =	ssyncadd.s32 $0xFFFFFFFF  }
0xab: {  	s26 =	simm.s32 $execute0_lowered;
	[smem:$0x3FD2] =	sst s25  }
0xac: {  	s5 =	sshll.u32 s26, $0x1;
	_ =	strace $0x80000046;
	[dreg:$0x1] =	wrdreg $0xFFFFFFFF  }
0xad: {  	s28 =	simm.s32 $_size_execute0_lowered;
	s3 =	sadd.s32 s3, s5;
	[dreg:$0x0] =	wrdreg $0x0  }
0xae: {  	s5 =	sshll.u32 s28, $0x1;
	[dreg:$0x2] =	wrdreg s3  }
0xaf: {  	[dreg:$0x3] =	wrdreg s5  }
0xb0: {  	[dreg:$0x4] =	wrdreg $0xC0  }
0xb1: {  	_ =	task [dreg:s7], $0x5FFFF  }
0xb2: {  	[dreg:$0x1] =	wrdreg $0xFFFFFFFF  }
0xb3: {  	[dreg:$0x0] =	wrdreg $0x60  }
0xb4: {  	[dreg:$0x2] =	wrdreg s24  }
0xb5: {  	[dreg:$0x3] =	wrdreg s16  }
0xb6: {  	[dreg:$0x4] =	wrdreg $0x9  }
0xb7: {  	_ =	task.clear_ibuf [dreg:s7], $0x5FFFF;
	_ =	strace $0x90000046  }
0xb8: {  	s29 =	simm.s32 $0x9;
	_ =	strace $0x80000048  }
0xb9: {  	_ =	swait.ge [sflag:s29], $0x1  }
0xba: {  	[sflag:s29] =	ssyncadd.s32 $0xFFFFFFFF  }
0xbb: {  	_ =	strace $0x90000048  }
0xbc: {  	_ =	sfence  }
0xbd: {  	s30 =	sld [smem:$0x0];
	_ =	sdelay $0x2  }
0xbe: {  	s31 =	sshll.u32 s1, $0xD;
	s1 =	sshrl.u32 s1, $0x2  }
0xbf: {  	s3 =	sand.u32 $0x4000, s31;
	s1 =	sadd.s32 s1, s30  }
0xc0: {  	s0 =	sor.u32 s3, s0;
	s1 =	sshll.u32 s1, $0x11  }
0xc1: {  	s0 =	sor.u32 s1, s0  }
0xc2: {  	s0 =	sadd.s32 $0x8F2B, s0  }
0xc3: {  	[sflag:s0] =	ssyncadd.remote.s32 $0x1  }
0xc4: {  	_ =	sfence.sel $0xFFFF  }
0xc5: {  	[dreg:$0x0] =	wrdreg $0xFFFFFFFF;
	(pc) =	sbr.abs _section_cstart, $3  }
0xc6: {  	[dreg:$0x1] =	wrdreg $0xFFFFFFFF  }
0xc7: {  	_ =	task.clear_ibuf [dreg:s7], $0x2FFFF;
	_ =	strace $0x9FFFFFFF  }
0xc8: {  	(tm) =	ssettm $0x7FFFFFFF  }
0xc9: {  	_ =	shalt  }
tec
execute0_lowered:
.L_overlay_start_1:
0x0: {  	(tag) =	ssettag $0x1  }
0x1: {  	s8 =	rddreg [dreg:$0x0]  }
0x2: {  	s2 =	rddreg [dreg:$0x1]  }
0x3: {  	s0 =	rddreg [dreg:$0x2];
	s1 =	stileid.u32  }
0x4: {  	s3 =	srdreg.scid;
	_ =	strace $0x80000047;
	s4 =	simm.s32 $0x1  }
0x5: {  	s7 =	simm.s32 $0x1;
	s9 =	simm.s32 $0x1;
	s10 =	simm.s32 $0x3  }
0x6: {  	s13 =	simm.s32 $0x0;
	s5 =	sand.u32 $0x1, s3;
	s6 =	sshll.u32 s1, $0x1  }
0x7: {  	s12 =	simm.s32 $0x0;
	s3 =	sadd.s32 $0x4F800, s8;
	s5 =	sor.u32 s6, s5  }
.Ltmp0:
0x8: {  	[sflag:s4] =	ssyncpa.u1 $0x0;
	p0 =	slt.u32 s5, $0x9;
	(pc) =	sbr.rel .LBB2_1-.Ltmp0, $4  }
0x9: {  	s6 =	simm.s32 $0x2;
	s7 =	simm.s32 @!p0 $0x0;
	p0 =	sne.s32 s5, $0x8  }
0xa: {  	[sflag:s6] =	ssyncpa.u1 $0x0;
	s5 =	smul.u32 $0x1F40, s5;
	s9 =	simm.s32 @!p0 $0x0  }
0xb: {  	s8 =	sadd.s32 $0xB400, s8;
	[sflag:s10] =	ssyncpa.u1 $0x0;
	s7 =	sadd.s32 s9, s7  }
0xc: {  	vm0 =	vmmov $0xffff;
	s10 =	simm.s32 $0x0;
	s11 =	smov.u32 s5;
	s9 =	sadd.s32 $0x1, s7  }
.LBB2_4:
0xd: {  	vm1 =	veq.s32 v0, $0x80000000;
	v63 =	vand.u32 $0x7FFFF, v0;
	v2 =	vand.u32 $0xFF, v2  }
0xe: {  	v0 =	vsel vm1, $0xFFFFFFFF, v63;
	v2 =	vsel vm1, $0xFFFFFFFF, v2  }
0xf: {  	v3 =	vshll.u32 v0, $0x8;
	v4 =	vshll.u32 v2, $0x3  }
0x10: {  	v0 =	vshll.u32 v0, $0x7;
	v3 =	vand.u32 $0xFFFFF800, v3;
	v4 =	vand.u32 $0xFFFFFC00, v4  }
0x11: {  	v0 =	vand.u32 $0x380, v0;
	v3 =	vadd.s32 v3, v4  }
0x12: {  	v2 =	vand.u32 $0x7F, v2;
	v0 =	vor.u32 v0, v3  }
0x13: {  	v0 =	vor.u32 v2, v0;
	_ =	sdelay $0x1  }
0x14: {  	(ifvalue) =	ssetifvalue $0x7FFFFFFF;
	s15 =	sadd.s32 $0x10, s15  }
0x15: {  	[tilespmem:s15], [sflag:$0x1] =	stream.indirect_vreg.gather [hbm4b:s3+s10], $0x1, v1, vm0, $0x4038;
	[tilespmem:$0x7D00] =	vst v63  }
0x16: {  	(ifvalue) =	ssetifvalue $0x7FFFFFFF;
	s15 =	sadd.s32 $0x10, s15  }
0x17: {  	[tilespmem:s15], [sflag:$0x1] =	stream.indirect_vreg.gather [hbm4b:s3+s10], $0x1, v0, vm0, $0x4038;
	[tilespmem:$0x7D00] =	vst v63  }
0x18: {  	_ =	swait.ge [sflag:s4], $0x1F40  }
0x19: {  	s30 =	sshrl.u32 s13, $0x3;
	[sflag:s4] =	ssyncset.done $0x0  }
0x1a: {  	s31 =	sand.u32 $0x7, s13;
	s15 =	sadd.s32 s8, s30;
	[sflag:s4] =	ssyncadd.s32 $0xFFFFE0C0  }
0x1b: {  	[hbm4b:s15+s31] =	stream.linear.scatter [tilespmem:s14], [sflag:$0x3], $0x1F40, $0x38;
	[tilespmem:$0x7D00] =	vst v63  }
.LBB2_5:
0x1c: {  	s15 =	sadd.s32 $0x3E800, s11  }
0x1d: {  	p1 =	sgt.s32 s15, $0x4E1FF  }
0x1e: {  	s15 =	smov.u32 @p1 s5;
	p1 =	sne.s32 s12, s9  }
.Ltmp1:
0x1f: {  	p0 =	slt.u32 s12, $0x2;
	(pc) =	sbr.rel @!p1 .LBB2_6-.Ltmp1, $4  }
0x20: {  	s14 =	simm.s32 @!p0 $0x3  }
0x21: {  	_ =	swait.ge @!p0 [sflag:s14], $0x1F40  }
0x22: {  	s16 =	sadd.s32 $0x1, s12;
	s13 =	smov.u32 s11;
	[sflag:s14] =	ssyncset.done @!p0 $0x0  }
0x23: {  	s12 =	smov.u32 s16;
	s11 =	smov.u32 s15;
	[sflag:s14] =	ssyncadd.s32 @!p0 $0xFFFFE0C0  }
.LBB2_1:
0x24: {  	p0 =	sge.u32 s12, s7  }
0x25: {  	s14 =	sxor.u32 @!p0 $0x1, s12  }
0x26: {  	s14 =	smul.u32 @!p0 $0x7D00, s14  }
0x27: {  	s31 =	sadd.s32 $0xFFFFFFFF, s12;
	s15 =	sshrl.u32 @!p0 s11, $0x3  }
0x28: {  	s16 =	sand.u32 @!p0 $0x7, s11;
	s15 =	sadd.s32 @!p0 s2, s15;
	s14 =	sshra.s32 @!p0 s14, $0x2  }
0x29: {  	[tilespmem:s14], [sflag:$0x2] =	stream.linear.gather @!p0 [hbm4b:s15+s16], $0x1F40, $0x38;
	[tilespmem:$0x7D00] =	vst v63  }
0x2a: {  	p0 =	sge.u32 s31, s7  }
.Ltmp2:
0x2b: {  	_ = 	snop;
	(pc) =	sbr.rel @p0 .LBB2_5-.Ltmp2, $1  }
0x2c: {  	_ =	sdelay $0x3  }
0x2d: {  	s14 =	sand.u32 $0x1, s12  }
0x2e: {  	_ =	swait.ge [sflag:s6], $0x1F40;
	p0 =	seq.s32 s14, $0x1;
	s14 =	simm.s32 $0x1F40  }
0x2f: {  	[sflag:s6] =	ssyncset.done $0x0;
	s14 =	simm.s32 @!p0 $0x0  }
0x30: {  	[sflag:s6] =	ssyncadd.s32 $0xFFFFE0C0;
	(ifvalue) =	ssetifvalue $0x7FFFFFFF;
	v0 =	vld.msk [tilespmem:s14+$0x0 ss:$0x1], $0xffff;
	_ =	sdelay $0x3  }
0x31: {  	s15 =	sadd.s32 $0x10, s14  }
0x32: {  	v2 =	vld.msk [tilespmem:s15+$0x0 ss:$0x1], $0xffff;
	v1 =	vshrl.u32 v0, $0x13  }
0x33: {  	vm1 =	veq.s32 v0, $0x80000000;
	v0 =	vand.u32 $0x7FFFF, v0;
	v1 =	vand.u32 $0xFF, v1  }
0x34: {  	v0 =	vsel vm1, $0xFFFFFFFF, v0;
	v1 =	vsel vm1, $0xFFFFFFFF, v1  }
0x35: {  	v3 =	vshll.u32 v0, $0x8;
	v4 =	vshll.u32 v1, $0x3  }
0x36: {  	v0 =	vshll.u32 v0, $0x7;
	v3 =	vand.u32 $0xFFFFF800, v3;
	v4 =	vand.u32 $0xFFFFFC00, v4  }
0x37: {  	vm1 =	veq.s32 v2, $0x80000000;
	v0 =	vand.u32 $0x380, v0;
	v3 =	vadd.s32 v3, v4  }
0x38: {  	v1 =	vand.u32 $0x7F, v1;
	v0 =	vor.u32 v0, v3;
	v3 =	vshrl.u32 v2, $0x13  }
0x39: {  	s15 =	sadd.s32 $0x10, s15;
	v2 =	vand.u32 $0x7FFFF, v2;
	v1 =	vor.u32 v1, v0;
	v3 =	vand.u32 $0xFF, v3  }
0x3a: {  	v0 =	vld.msk [tilespmem:s15+$0x0 ss:$0x1], $0xffff;
	v2 =	vsel vm1, $0xFFFFFFFF, v2;
	v3 =	vsel vm1, $0xFFFFFFFF, v3  }
0x3b: {  	v63 =	vshll.u32 v2, $0x8;
	v5 =	vshll.u32 v3, $0x3  }
0x3c: {  	v2 =	vshll.u32 v2, $0x7;
	v4 =	vand.u32 $0xFFFFF800, v63;
	v5 =	vand.u32 $0xFFFFFC00, v5  }
0x3d: {  	s14 =	sadd.s32 $0x3E80, s14;
	(ifvalue) =	ssetifvalue $0x7FFFFFFF;
	v2 =	vand.u32 $0x380, v2;
	v4 =	vadd.s32 v4, v5  }
0x3e: {  	[tilespmem:s14], [sflag:$0x1] =	stream.indirect_vreg.gather [hbm4b:s3+s10], $0x1, v1, vm0, $0x4038;
	v1 =	vand.u32 $0x7F, v3;
	v3 =	vor.u32 v2, v4;
	[tilespmem:$0x7D00] =	vst v63  }
0x3f: {  	s16 =	simm.s32 $0x20;
	s17 =	sadd.s32 $0x10, s15;
	s15 =	smov.u32 s14;
	v2 =	vshrl.u32 v0, $0x13;
	v1 =	vor.u32 v1, v3  }
.LBB2_3:
0x40: {  	s16 =	sadd.s32 $0x10, s16;
	vm1 =	veq.s32 v0, $0x80000000;
	v3 =	vand.u32 $0x7FFFF, v0;
	v0 =	vld.msk [tilespmem:s17+$0x0 ss:$0x1], $0xffff;
	v2 =	vand.u32 $0xFF, v2  }
0x41: {  	p0 =	slt.u32 s16, $0x1F30;
	v3 =	vsel vm1, $0xFFFFFFFF, v3;
	v2 =	vsel vm1, $0xFFFFFFFF, v2  }
.Ltmp3:
0x42: {  	v4 =	vshll.u32 v3, $0x8;
	v5 =	vshll.u32 v2, $0x3;
	(pc) =	sbr.rel @p0 .LBB2_3-.Ltmp3, $4  }
0x43: {  	s15 =	sadd.s32 $0x10, s15;
	v3 =	vshll.u32 v3, $0x7;
	v4 =	vand.u32 $0xFFFFF800, v4;
	v5 =	vand.u32 $0xFFFFFC00, v5;
	(ifvalue) =	ssetifvalue $0x7FFFFFFF  }
0x44: {  	v3 =	vand.u32 $0x380, v3;
	v4 =	vadd.s32 v4, v5;
	[tilespmem:s15], [sflag:$0x1] =	stream.indirect_vreg.gather [hbm4b:s3+s10], $0x1, v1, vm0, $0x4038;
	[tilespmem:$0x7D00] =	vst v63  }
0x45: {  	v1 =	vand.u32 $0x7F, v2;
	v3 =	vor.u32 v3, v4  }
0x46: {  	s17 =	sadd.s32 $0x10, s17;
	v2 =	vshrl.u32 v0, $0x13;
	v1 =	vor.u32 v1, v3  }
.Ltmp4:
0x47: {  	_ = 	snop;
	(pc) =	sbr.rel .LBB2_4-.Ltmp4, $1  }
0x48: {  	_ =	sdelay $0x3  }
.LBB2_6:
0x49: {  	_ =	sfence.sel $0x180000  }
0x4a: {  	s2 =	simm.s32 $0x2;
	[bflag:$0x0] =	sbarrier.arrive $0xFFFF  }
0x4b: {  	s30 =	simm.s32 $0x3;
	[sflag:s2] =	ssyncpa.u1 $0x1  }
0x4c: {  	s31 =	simm.s32 $0x1;
	[sflag:s30] =	ssyncpa.u1 $0x1  }
0x4d: {  	[sflag:s31] =	ssyncpa.u1 $0x1  }
0x4e: {  	p0 =	sne.s32 s1, $0x0;
	_ =	strace $0x90000047  }
0x4f: {  	s0 =	sadd.s32 @!p0 $0x100000, s0;
	[bflag:$0x2] =	sbarrier.arrive $0xFFFF  }
0x50: {  	[sflag:s0] =	ssyncadd.tile.s32 @!p0 $0x1;
	_ =	shalt  }
.Lfunc_end2:
_tile_overlayer_lowered:
.L_overlay_start_2:
0x51: {  	(tag) =	ssettag $0x2  }
0x52: {  	s0 =	rddreg [dreg:$0x0];
	s2 =	stileid.u32  }
0x53: {  	s1 =	rddreg [dreg:$0x1];
	p0 =	sne.s32 s2, $0x0  }
0x54: {  	s3 =	rddreg [dreg:$0x2];
	[bflag:$0x3] =	sbarrier.arrive $0xFFFF;
	s2 =	simm.s32 @!p0 $0x1C01  }
0x55: {  	[timem:s3], [sflag:s2] =	dma.local @!p0 [hbm:s0], s1  }
0x56: {  	s0 =	simm.s32 @!p0 $0x1  }
0x57: {  	_ =	swait.ge @!p0 [sflag:s0], s1  }
0x58: {  	s1 =	ssub.s32 @!p0 $0x0, s1;
	[sflag:s0] =	ssyncset.done @!p0 $0x0  }
0x59: {  	[sflag:s0] =	ssyncadd.s32 @!p0 s1  }
0x5a: {  	[bflag:$0x3] =	sbarrier.arrive $0xFFFF  }
0x5b: {  	_ =	shalt  }

// kernel: scatter_offload_async_start.1
scs
__scs_entry_jumppad:
0x0: {  	(pc) =	sbr.rel $0x88, $3  }
0x1: {  	(tag) =	ssettag $0x0;
	lr =	simm.s32 $0x1  }
0x2: {  	[smem:$0x3F96] =	sst lr;
	_ =	strace $0xD0000000  }
0x3: {  	_ = 	snop  }
0x4: {  	_ = 	snop  }
0x5: {  	_ = 	snop  }
0x6: {  	_ = 	snop  }
0x7: {  	_ = 	snop  }
__scs_overlays_trampoline_lowered:
0x8: {  	[smem:$0x3FA5] =	sst s0  }
0x9: {  	[smem:$0x3FA6] =	sst s1  }
0xa: {  	[smem:$0x3FA7] =	sst s2  }
0xb: {  	[smem:$0x3FA8] =	sst s3  }
0xc: {  	[smem:$0x3FA9] =	sst s4  }
0xd: {  	[smem:$0x3FAA] =	sst s5  }
0xe: {  	[smem:$0x3FAB] =	sst s6  }
0xf: {  	[smem:$0x3FAC] =	sst s7  }
0x10: {  	[smem:$0x3FAD] =	sst s8  }
0x11: {  	[smem:$0x3FAE] =	sst s9;
	s0 =	simm.s32 @!p0 $0x0  }
0x12: {  	s1 =	sld [smem:$0x3F94];
	s0 =	simm.s32 @p0 $0x1  }
0x13: {  	[smem:$0x3FAF] =	sst s0;
	s0 =	simm.s32 @!p1 $0x0  }
0x14: {  	s2 =	sld [smem:$0x3F93];
	s0 =	simm.s32 @p1 $0x1  }
0x15: {  	[smem:$0x3FB0] =	sst s0;
	s0 =	simm.s32 @!p2 $0x0  }
0x16: {  	s3 =	sld [smem:$0x3FDB];
	s0 =	simm.s32 @p2 $0x1  }
0x17: {  	s4 =	simm.s32 $0x1BF5;
	[smem:$0x3FB2] =	sst s0  }
0x18: {  	s0 =	sld [smem:$0x3F95];
	_ =	swait.ge [sflag:s4], $0x0  }
0x19: {  	s7 =	sld [smem:$0x3F96]  }
0x1a: {  	s8 =	sadd.s32 $0xFFFFE003, lr  }
0x1b: {  	s9 =	sadd.s32 $0xFFFFFEF7, lr;
	s5 =	simm.s32 $0xFFFFFFFF;
	p2 =	slt.u32 s8, $0xFFFFF086  }
0x1c: {  	p1 =	slt.u32 s9, $0xF7A;
	s5 =	simm.s32 @!p2 $0x0  }
0x1d: {  	s5 =	simm.s32 @p1 $0x1;
	p0 =	seq.s32 s7, s2  }
0x1e: {  	s7 =	smul.u32 @!p0 $0xF7A, s2;
	p2 =	seq.s32 @!p0 s5, $0x0  }
0x1f: {  	s9 =	smul.u32 $0xF7A, s1;
	s8 =	simm.s32 @!p0 $0x1BF5;
	p2 =	por !p2, p0  }
0x20: {  	[sflag:s8] =	ssyncset.s32 @!p0 $0xFFFFF086;
	s6 =	sadd.s32 @!p0 s3, s7;
	s7 =	simm.s32 @!p0 $0x108  }
0x21: {  	s3 =	sadd.s32 s3, s9;
	s6 =	sadd.s32 @!p0 $0x88, s6;
	s7 =	simm.s32 @p2 $0x1082  }
0x22: {  	[simem:s7], [sflag:s8] =	dma.local @!p0 [hbm:s6], $0xF7A  }
0x23: {  	s9 =	sor.u32 $0xD0000000, s2;
	s6 =	simm.s32 $0x108;
	_ =	swait.ge @!p0 [sflag:s8], $0x0  }
0x24: {  	s3 =	sadd.s32 $0x88, s3;
	s6 =	simm.s32 @!p1 $0x1082;
	[sflag:s4] =	ssyncset.s32 $0xFFFFF086  }
0x25: {  	[simem:s6], [sflag:s4] =	dma.local [hbm:s3], $0xF7A  }
0x26: {  	[smem:$0x3F96] =	sst s1;
	(tag) =	ssettag s2;
	_ =	strace s9  }
0x27: {  	s1 =	sld [smem:$0x3FA6]  }
0x28: {  	s2 =	sld [smem:$0x3FA7]  }
0x29: {  	s4 =	sld [smem:$0x3FA9]  }
0x2a: {  	p0 =	seq.s32 s5, $0x0;
	s5 =	sld [smem:$0x3FAA]  }
0x2b: {  	s6 =	sld [smem:$0x3FAB]  }
0x2c: {  	s7 =	sld [smem:$0x3FAC]  }
0x2d: {  	s3 =	simm.s32 $0x108;
	s8 =	sld [smem:$0x3FAD]  }
0x2e: {  	s3 =	simm.s32 @!p0 $0x1082;
	s9 =	sld [smem:$0x3FAE]  }
0x2f: {  	lr =	sadd.s32 s0, s3;
	s0 =	sld [smem:$0x3FA5]  }
0x30: {  	s3 =	sld [smem:$0x3FA8]  }
0x31: {  	[smem:$0x3FB1] =	sst s10  }
0x32: {  	s10 =	sld [smem:$0x3FAF];
	_ =	sdelay $0x3  }
0x33: {  	p0 =	seq.s32 s10, $0x1;
	s10 =	sld [smem:$0x3FB1];
	_ =	sdelay $0x3  }
0x34: {  	[smem:$0x3FB1] =	sst s10  }
0x35: {  	s10 =	sld [smem:$0x3FB0];
	_ =	sdelay $0x3  }
0x36: {  	p1 =	seq.s32 s10, $0x1;
	s10 =	sld [smem:$0x3FB1];
	_ =	sdelay $0x3  }
0x37: {  	[smem:$0x3FB1] =	sst s10  }
0x38: {  	s10 =	sld [smem:$0x3FB2]  }
0x39: {  	_ = 	snop;
	(pc) =	sbr.ind lr, $3  }
0x3a: {  	_ = 	snop  }
0x3b: {  	_ = 	snop  }
0x3c: {  	p2 =	seq.s32 s10, $0x1;
	s10 =	sld [smem:$0x3FB1]  }
0x3d: {  	_ =	shalt  }
0x3e: {  	_ =	shalt  }
0x3f: {  	_ =	shalt  }
0x40: {  	_ =	shalt  }
0x41: {  	_ =	shalt  }
0x42: {  	_ =	shalt  }
0x43: {  	_ =	shalt  }
0x44: {  	_ =	shalt  }
0x45: {  	_ =	shalt  }
0x46: {  	_ =	shalt  }
0x47: {  	_ =	shalt  }
0x48: {  	_ =	shalt  }
0x49: {  	_ =	shalt  }
0x4a: {  	_ =	shalt  }
0x4b: {  	_ =	shalt  }
0x4c: {  	_ =	shalt  }
0x4d: {  	_ =	shalt  }
0x4e: {  	_ =	shalt  }
0x4f: {  	_ =	shalt  }
0x50: {  	_ =	shalt  }
0x51: {  	_ =	shalt  }
0x52: {  	_ =	shalt  }
0x53: {  	_ =	shalt  }
0x54: {  	_ =	shalt  }
0x55: {  	_ =	shalt  }
0x56: {  	_ =	shalt  }
0x57: {  	_ =	shalt  }
0x58: {  	_ =	shalt  }
0x59: {  	_ =	shalt  }
0x5a: {  	_ =	shalt  }
0x5b: {  	_ =	shalt  }
0x5c: {  	_ =	shalt  }
0x5d: {  	_ =	shalt  }
0x5e: {  	_ =	shalt  }
0x5f: {  	_ =	shalt  }
0x60: {  	_ =	shalt  }
0x61: {  	_ =	shalt  }
0x62: {  	_ =	shalt  }
0x63: {  	_ =	shalt  }
0x64: {  	_ =	shalt  }
0x65: {  	_ =	shalt  }
0x66: {  	_ =	shalt  }
0x67: {  	_ =	shalt  }
0x68: {  	_ =	shalt  }
0x69: {  	_ =	shalt  }
0x6a: {  	_ =	shalt  }
0x6b: {  	_ =	shalt  }
0x6c: {  	_ =	shalt  }
0x6d: {  	_ =	shalt  }
0x6e: {  	_ =	shalt  }
0x6f: {  	_ =	shalt  }
0x70: {  	_ =	shalt  }
0x71: {  	_ =	shalt  }
0x72: {  	_ =	shalt  }
0x73: {  	_ =	shalt  }
0x74: {  	_ =	shalt  }
0x75: {  	_ =	shalt  }
0x76: {  	_ =	shalt  }
0x77: {  	_ =	shalt  }
0x78: {  	_ =	shalt  }
0x79: {  	_ =	shalt  }
0x7a: {  	_ =	shalt  }
0x7b: {  	_ =	shalt  }
0x7c: {  	_ =	shalt  }
0x7d: {  	_ =	shalt  }
0x7e: {  	_ =	shalt  }
0x7f: {  	_ =	shalt  }
0x80: {  	_ =	shalt  }
0x81: {  	_ =	shalt  }
0x82: {  	_ =	shalt  }
0x83: {  	_ =	shalt  }
0x84: {  	_ =	shalt  }
0x85: {  	_ =	shalt  }
0x86: {  	_ =	shalt  }
0x87: {  	_ =	shalt  }
.Lfunc_end0:
.L_simem_size_0:
called_computation.1_lowered:
.L_overlay_start_0:
0x88: {  	s0 =	sld [smem:$0x3FD9]  }
0x89: {  	s1 =	sld [smem:$0x3FFE];
	_ =	sdelay $0x3  }
0x8a: {  	s0 =	sadd.s32 s1, s0  }
0x8b: {  	[smem:$0x3FBD] =	sst s0  }
0x8c: {  	_ = 	snop  }
0x8d: {  	s0 =	sld [smem:$0x3FD0];
	_ =	sdelay $0x2  }
0x8e: {  	s12 =	simm.s32 $0xB;
	s2 =	simm.s32 $0x10  }
0x8f: {  	[smem:s2], [sflag:s12] =	dma.local [hbm:s0], $0x1  }
0x90: {  	_ =	swait.eq [sflag:s12], $0x1  }
0x91: {  	[sflag:s12] =	ssyncset.done $0x0  }
0x92: {  	[sflag:s12] =	ssyncadd.s32 $0xFFFFFFFF  }
0x93: {  	s13 =	sld [smem:$0x10];
	(tm) =	ssettm $0x1  }
0x94: {  	s14 =	sld [smem:$0x3FFB];
	_ =	sdelay $0x3  }
0x95: {  	_ =	strace s14  }
0x96: {  	s0 =	sld [smem:$0x3FFC];
	_ =	sdelay $0x3  }
0x97: {  	_ =	strace s0  }
0x98: {  	s0 =	sld [smem:$0x3FFD];
	_ =	sdelay $0x3  }
0x99: {  	_ =	strace s0  }
0x9a: {  	_ =	strace $0x8FFFFFFF  }
0x9b: {  	s15 =	sld [smem:$0x3FDB];
	_ =	sdelay $0x1  }
0x9c: {  	s16 =	simm.s32 $_scs_section_size  }
0x9d: {  	s3 =	simm.s32 $_size__tile_overlayer_lowered;
	s4 =	simm.s32 $_tile_overlayer_lowered  }
0x9e: {  	s5 =	simm.s32 $0x1BFF;
	s17 =	sshll.u32 s4, $0x1;
	s2 =	sadd.s32 s16, s15  }
0x9f: {  	s18 =	simm.s32 $0x0;
	s3 =	sshll.u32 s3, $0x1;
	s4 =	sadd.s32 s17, s2  }
0xa0: {  	[timem:s18], [sflag:s5] =	dma.local [hbm:s4], s3  }
0xa1: {  	_ =	swait.ge [sflag:s5], s3  }
0xa2: {  	s3 =	ssub.s32 $0x0, s3;
	[sflag:s5] =	ssyncset.done $0x0  }
0xa3: {  	[sflag:s5] =	ssyncadd.s32 s3;
	_ =	sdelay $0x1  }
0xa4: {  	s19 =	simm.s32 $0x1B8B  }
0xa5: {  	_ =	swait.ge [sflag:s19], $0x1  }
0xa6: {  	[sflag:s19] =	ssyncset.done $0x0  }
0xa7: {  	s21 =	simm.s32 $0x1B8E;
	s20 =	sld [smem:$0x3FFE];
	[sflag:s19] =	ssyncadd.s32 $0xFFFFFFFF  }
0xa8: {  	s22 =	simm.s32 $execute0_lowered;
	[smem:$0x3FD2] =	sst s21  }
0xa9: {  	s4 =	sshll.u32 s22, $0x1;
	_ =	strace $0x8000004F;
	[dreg:$0x1] =	wrdreg $0xFFFFFFFF  }
0xaa: {  	s23 =	simm.s32 $_size_execute0_lowered;
	s4 =	sadd.s32 s2, s4;
	[dreg:$0x0] =	wrdreg $0x0  }
0xab: {  	s5 =	sshll.u32 s23, $0x1;
	[dreg:$0x2] =	wrdreg s4  }
0xac: {  	[dreg:$0x3] =	wrdreg s5  }
0xad: {  	[dreg:$0x4] =	wrdreg $0xC0  }
0xae: {  	s24 =	simm.s32 $execute1_lowered;
	_ =	task [dreg:s18], $0x5FFFF  }
0xaf: {  	s4 =	sshll.u32 s24, $0x1;
	[dreg:$0x1] =	wrdreg $0xFFFFFFFF  }
0xb0: {  	s2 =	sadd.s32 s2, s4;
	[dreg:$0x0] =	wrdreg $0x60  }
0xb1: {  	[dreg:$0x2] =	wrdreg s2  }
0xb2: {  	[dreg:$0x3] =	wrdreg s20  }
0xb3: {  	[dreg:$0x4] =	wrdreg $0x9  }
0xb4: {  	_ =	task.clear_ibuf [dreg:s18], $0x5FFFF;
	_ =	strace $0x9000004F  }
0xb5: {  	s25 =	simm.s32 $0x9;
	_ =	strace $0x80000051  }
0xb6: {  	_ =	swait.ge [sflag:s25], $0x1  }
0xb7: {  	[sflag:s25] =	ssyncadd.s32 $0xFFFFFFFF  }
0xb8: {  	_ =	strace $0x90000051  }
0xb9: {  	_ =	strace $0x80000052;
	[dreg:$0x1] =	wrdreg $0xFFFFFFFF  }
0xba: {  	[dreg:$0x0] =	wrdreg $0x2030  }
0xbb: {  	[dreg:$0x2] =	wrdreg s20  }
0xbc: {  	[dreg:$0x3] =	wrdreg s13  }
0xbd: {  	[dreg:$0x4] =	wrdreg $0xA  }
0xbe: {  	_ =	task.clear_ibuf [dreg:s18], $0x5FFFF;
	_ =	strace $0x90000052  }
0xbf: {  	s26 =	simm.s32 $0xA;
	_ =	strace $0x80000054  }
0xc0: {  	_ =	swait.ge [sflag:s26], $0x1  }
0xc1: {  	[sflag:s26] =	ssyncadd.s32 $0xFFFFFFFF  }
0xc2: {  	_ =	strace $0x90000054  }
0xc3: {  	_ =	sfence  }
0xc4: {  	s28 =	sld [smem:$0x0];
	_ =	sdelay $0x1  }
0xc5: {  	s29 =	srdreg.scid  }
0xc6: {  	s30 =	sshll.u32 s29, $0xD;
	s31 =	sshrl.u32 s29, $0x2  }
0xc7: {  	s3 =	sand.u32 $0x4000, s30;
	s2 =	sand.u32 $0x1, s29;
	s1 =	sadd.s32 s31, s28  }
0xc8: {  	s2 =	sor.u32 s3, s2;
	s1 =	sshll.u32 s1, $0x11  }
0xc9: {  	s1 =	sor.u32 s1, s2  }
0xca: {  	s1 =	sadd.s32 $0x8F2B, s1  }
0xcb: {  	[sflag:s1] =	ssyncadd.remote.s32 $0x1  }
0xcc: {  	_ =	sfence.sel $0xFFFF  }
0xcd: {  	[dreg:$0x0] =	wrdreg $0xFFFFFFFF;
	(pc) =	sbr.abs _section_cstart, $3  }
0xce: {  	[dreg:$0x1] =	wrdreg $0xFFFFFFFF  }
0xcf: {  	_ =	task.clear_ibuf [dreg:s18], $0x2FFFF;
	_ =	strace $0x9FFFFFFF  }
0xd0: {  	(tm) =	ssettm $0x7FFFFFFF  }
0xd1: {  	_ =	shalt  }
tec
execute0_lowered:
.L_overlay_start_1:
0x0: {  	(tag) =	ssettag $0x1  }
0x1: {  	s2 =	rddreg [dreg:$0x0]  }
0x2: {  	s4 =	rddreg [dreg:$0x1]  }
0x3: {  	s0 =	rddreg [dreg:$0x2];
	s3 =	stileid.u32  }
0x4: {  	[bflag:$0x3] =	sbarrier.arrive $0xFFFF;
	s1 =	simm.s32 $_size_execute1_lowered;
	p0 =	sne.s32 s3, $0x0  }
0x5: {  	s1 =	sshll.u32 s1, $0x1;
	s5 =	simm.s32 @!p0 $0x1C3F;
	s6 =	simm.s32 @!p0 $0x4060  }
0x6: {  	[timem:s6], [sflag:s5] =	dma.local @!p0 [hbm:s2], s1  }
0x7: {  	s2 =	smul.u32 $0x280, s3  }
.Ltmp0:
0x8: {  	s31 =	simm.s32 $0x2;
	s7 =	simm.s32 $0x280;
	(pc) =	sbr.rel .LBB2_1-.Ltmp0, $4  }
0x9: {  	s8 =	simm.s32 $0x780;
	s10 =	simm.s32 $0x0;
	s9 =	simm.s32 $0x0  }
0xa: {  	s3 =	simm.s32 $0x1;
	_ =	strace $0x80000050;
	s30 =	sshrl.u32 s2, $0x3  }
0xb: {  	s6 =	simm.s32 $0x0;
	[sflag:s3] =	ssyncpa.u1 $0x0;
	s5 =	sadd.s32 s30, s4  }
0xc: {  	s4 =	sadd.s32 $0x15800, s4;
	[sflag:s31] =	ssyncpa.u1 $0x0;
	s5 =	sadd.s32 $0x15200, s5  }
.LBB2_8:
0xd: {  	p1 =	seq.s32 s9, $0x2  }
.Ltmp1:
0xe: {  	_ = 	snop;
	(pc) =	sbr.rel @p1 .LBB2_10-.Ltmp1, $1  }
0xf: {  	_ =	sdelay $0x3  }
.LBB2_9:
0x10: {  	s9 =	sadd.s32 $0x1, s9;
	s10 =	smov.u32 s2  }
.LBB2_1:
0x11: {  	p1 =	sne.s32 s9, $0x0  }
.Ltmp2:
0x12: {  	_ = 	snop;
	(pc) =	sbr.rel @!p1 .LBB2_2-.Ltmp2, $1  }
0x13: {  	_ =	sdelay $0x3  }
0x14: {  	s11 =	sand.u32 $0x1, s9  }
0x15: {  	p1 =	seq.s32 s11, $0x0  }
.Ltmp3:
0x16: {  	_ = 	snop;
	(pc) =	sbr.rel @p1 .LBB2_8-.Ltmp3, $1  }
0x17: {  	_ =	sdelay $0x3  }
0x18: {  	_ =	swait.ge [sflag:s3], $0x280  }
0x19: {  	[sflag:s3] =	ssyncset.done $0x0  }
0x1a: {  	s11 =	simm.s32 $0x0;
	p1 =	por $0x1, $0x1;
	[sflag:s3] =	ssyncadd.s32 $0xFFFFFD80  }
.LBB2_5:
0x1b: {  	v0 =	vld [tilespmem:s11+$0x280]  }
0x1c: {  	v1 =	vld [tilespmem:s11+$0x290]  }
0x1d: {  	v2 =	vld [tilespmem:s11+$0x2A0]  }
0x1e: {  	v3 =	vld [tilespmem:s11+$0x2B0]  }
0x1f: {  	v4 =	vld [tilespmem:s11+$0x2C0]  }
0x20: {  	v53 =	vld [tilespmem:s11+$0x2D0];
	[tilespmem:s11+$0x780] =	vst v0  }
0x21: {  	v54 =	vld [tilespmem:s11+$0x2E0];
	[tilespmem:s11+$0x790] =	vst v1  }
0x22: {  	v55 =	vld [tilespmem:s11+$0x2F0];
	[tilespmem:s11+$0x7A0] =	vst v2  }
0x23: {  	v56 =	vld [tilespmem:s11+$0x300];
	[tilespmem:s11+$0x7B0] =	vst v3  }
0x24: {  	v57 =	vld [tilespmem:s11+$0x310];
	[tilespmem:s11+$0x7C0] =	vst v4  }
0x25: {  	v58 =	vld [tilespmem:s11+$0x320];
	[tilespmem:s11+$0x7D0] =	vst v53  }
0x26: {  	v59 =	vld [tilespmem:s11+$0x330];
	[tilespmem:s11+$0x7E0] =	vst v54  }
0x27: {  	v60 =	vld [tilespmem:s11+$0x340];
	[tilespmem:s11+$0x7F0] =	vst v55  }
0x28: {  	v61 =	vld [tilespmem:s11+$0x350];
	[tilespmem:s11+$0x800] =	vst v56  }
0x29: {  	v62 =	vld [tilespmem:s11+$0x360];
	[tilespmem:s11+$0x810] =	vst v57  }
0x2a: {  	v63 =	vld [tilespmem:s11+$0x370];
	p2 =	por p1, p1;
	[tilespmem:s11+$0x820] =	vst v58  }
.Ltmp4:
0x2b: {  	[tilespmem:s11+$0x830] =	vst v59;
	(pc) =	sbr.rel @p2 .LBB2_5-.Ltmp4, $4  }
0x2c: {  	[tilespmem:s11+$0x840] =	vst v60  }
0x2d: {  	[tilespmem:s11+$0x850] =	vst v61  }
0x2e: {  	s12 =	simm.s32 $0x1F0;
	s13 =	simm.s32 $0x980;
	[tilespmem:s11+$0x860] =	vst v62  }
0x2f: {  	s14 =	simm.s32 $0x480;
	p1 =	por $0x0, $0x0;
	[tilespmem:s11+$0x870] =	vst v63;
	s11 =	simm.s32 $0x100  }
.LBB2_6:
0x30: {  	s12 =	sadd.s32 $0x10, s12  }
0x31: {  	v0 =	vld [tilespmem:s14+$0x0];
	p1 =	slt.u32 s12, $0x270  }
.Ltmp5:
0x32: {  	_ = 	snop;
	(pc) =	sbr.rel @p1 .LBB2_6-.Ltmp5, $2  }
0x33: {  	_ =	sdelay $0x2  }
0x34: {  	s14 =	sadd.s32 $0x10, s14;
	[tilespmem:s13+$0x0] =	vst v0;
	s13 =	sadd.s32 $0x10, s13  }
.Ltmp6:
0x35: {  	(pc) =	sbr.rel .LBB2_8-.Ltmp6, $4  }
0x36: {  	_ = 	snop  }
0x37: {  	s10 =	sshrl.u32 s10, $0x3  }
0x38: {  	s10 =	sadd.s32 s4, s10  }
0x39: {  	[hbm4b:s10+s6] =	stream.linear.scatter [tilespmem:s8], [sflag:$0x2], $0x280, $0x38;
	[tilespmem:$0xA00] =	vst v63  }
.LBB2_2:
.Ltmp7:
0x3a: {  	(pc) =	sbr.rel .LBB2_9-.Ltmp7, $2  }
0x3b: {  	_ =	sdelay $0x2  }
0x3c: {  	[tilespmem:s7], [sflag:$0x1] =	stream.linear.gather [hbm4b:s5+s6], $0x280, $0x38;
	[tilespmem:$0xA00] =	vst v63  }
.LBB2_10:
0x3d: {  	s2 =	simm.s32 $0x2  }
0x3e: {  	_ =	swait.ge [sflag:s2], $0x280  }
0x3f: {  	[sflag:s2] =	ssyncset.done $0x0  }
0x40: {  	[sflag:s2] =	ssyncadd.s32 $0xFFFFFD80  }
0x41: {  	_ =	sfence.sel $0x180000  }
0x42: {  	s3 =	simm.s32 $0x1;
	[bflag:$0x0] =	sbarrier.arrive $0xFFFF  }
0x43: {  	[sflag:s3] =	ssyncpa.u1 $0x1  }
0x44: {  	[sflag:s2] =	ssyncpa.u1 $0x1  }
0x45: {  	_ =	strace $0x90000050  }
0x46: {  	s0 =	sadd.s32 @!p0 $0x100000, s0;
	[bflag:$0x2] =	sbarrier.arrive $0xFFFF  }
0x47: {  	[sflag:s0] =	ssyncadd.tile.s32 @!p0 $0x1;
	s0 =	simm.s32 @!p0 $0x3F  }
0x48: {  	_ =	swait.ge @!p0 [sflag:s0], s1  }
0x49: {  	s1 =	ssub.s32 @!p0 $0x0, s1;
	[sflag:s0] =	ssyncset.done @!p0 $0x0  }
0x4a: {  	[sflag:s0] =	ssyncadd.s32 @!p0 s1  }
0x4b: {  	[bflag:$0x3] =	sbarrier.arrive $0xFFFF  }
0x4c: {  	_ =	shalt  }
.Lfunc_end2:
execute1_lowered:
.L_overlay_start_2:
0x4d: {  	(tag) =	ssettag $0x2  }
0x4e: {  	s0 =	rddreg [dreg:$0x0]  }
0x4f: {  	s3 =	rddreg [dreg:$0x1];
	_ =	strace $0x80000053;
	s15 =	stileid.u32  }
0x50: {  	s2 =	simm.s32 $0x1;
	s1 =	smin.u32 s15, $0x8;
	s4 =	sshll.u32 s15, $0x1  }
0x51: {  	v1 =	vimm.s32 $0xFFFFFFFF;
	[sflag:s2] =	ssyncpa.u1 $0x0;
	s1 =	sadd.s32 s1, s4  }
0x52: {  	p0 =	slt.u32 s15, $0x8;
	[tilespmem:$0x10] =	vst v1;
	s5 =	smul.u32 $0x1F40, s1;
	s1 =	simm.s32 $0x5DC0  }
0x53: {  	v0 =	vimm.f32 $0.0e+00;
	[tilespmem:$0x20] =	vst v1;
	s1 =	simm.s32 @!p0 $0x3E80  }
0x54: {  	[tilespmem:$0x30] =	vst v0;
	s1 =	sadd.s32 s1, s5  }
0x55: {  	[tilespmem:$0x40] =	vst v0;
	s6 =	smin.u32 s1, $0x4E200  }
0x56: {  	s7 =	simm.s32 $0x2;
	[tilespmem:$0x50] =	vst v0;
	s9 =	ssub.s32 s6, s5  }
0x57: {  	s8 =	simm.s32 $0x8;
	s31 =	simm.s32 $0x9;
	[tilespmem:$0x60] =	vst v1;
	p0 =	sgt.s32 s9, $0x0  }
0x58: {  	s16 =	simm.s32 $0x0;
	s17 =	simm.s32 $0xF0;
	[tilespmem:$0x70] =	vst v1;
	s9 =	simm.s32 @!p0 $0x0  }
0x59: {  	s18 =	simm.s32 $0xFFFFFFFF;
	s19 =	simm.s32 $0xFFFFC280;
	[tilespmem:$0x80] =	vst v1;
	s30 =	smulhi.u32 $0x10624DD3, s9  }
0x5a: {  	s20 =	simm.s32 $0xFFFFFFFE;
	s21 =	simm.s32 $0xF;
	s25 =	simm.s32 $0x0;
	v1 =	vimm.s32 $0x0;
	[tilespmem:$0xB0] =	vst v0  }
0x5b: {  	s24 =	simm.s32 $0x0;
	s15 =	sshllo.u32 s15, $0x1;
	[tilespmem:$0x90] =	vst v1;
	s10 =	sshrl.u32 s30, $0x9  }
0x5c: {  	[tilespmem:$0xA0] =	vst v1;
	[sflag:s7] =	ssyncpa.u1 $0x0;
	s7 =	simm.s32 $0x7;
	s11 =	smul.u32 $0x1F40, s10  }
.Ltmp8:
0x5d: {  	s13 =	sor.u32 $0x80, s4;
	[sflag:s7] =	ssyncpa.u1 $0x0;
	(pc) =	sbr.rel .LBB3_1-.Ltmp8, $4  }
0x5e: {  	s14 =	sor.u32 $0x81, s4;
	[sflag:s8] =	ssyncpa.u1 $0x0;
	p0 =	sne.s32 s9, s11  }
0x5f: {  	s23 =	smov.u32 s5;
	s1 =	sadd.s32 $0x15800, s0;
	s2 =	simm.s32 @!p0 $0x0  }
0x60: {  	vm0 =	vmmov $0xffff;
	v2 =	vlaneseq.u32;
	[sflag:s31] =	ssyncpa.u1 $0x0;
	s9 =	sadd.s32 $0xB400, s0;
	s10 =	sadd.s32 s2, s10  }
0x61: {  	vm1 =	vmxor vm1, vm1;
	vm2 =	vmmov $0x1;
	vm3 =	vcmask $0x3F3C;
	p0 =	por $0x0, $0x0;
	s11 =	sadd.s32 $0x1, s10;
	s12 =	sadd.s32 $0x2, s10  }
.LBB3_9:
0x62: {  	p1 =	slt.u32 s24, $0x3  }
0x63: {  	s0 =	simm.s32 @!p1 $0x2  }
0x64: {  	_ =	swait.ge @!p1 [sflag:s0], $0x1F40  }
0x65: {  	[sflag:s0] =	ssyncset.done @!p1 $0x0  }
0x66: {  	[sflag:s0] =	ssyncadd.s32 @!p1 $0xFFFFE0C0;
	s0 =	simm.s32 @!p1 $0x9  }
0x67: {  	_ =	swait.ge @!p1 [sflag:s0], $0x10  }
0x68: {  	[sflag:s0] =	ssyncset.done @!p1 $0x0  }
0x69: {  	[sflag:s0] =	ssyncadd.s32 @!p1 $0xFFFFFFF0;
	p1 =	sne.s32 s24, s12  }
.Ltmp9:
0x6a: {  	s2 =	sadd.s32 $0x1F40, s23;
	(pc) =	sbr.rel @!p1 .LBB3_10-.Ltmp9, $4  }
0x6b: {  	s22 =	smov.u32 s5;
	s31 =	sadd.s32 $0x1, s24;
	s17 =	sadd.s32 $0x1F40, s17  }
0x6c: {  	s18 =	sadd.s32 $0x1, s18;
	s25 =	smov.u32 s23;
	p2 =	slt.s32 s2, s6  }
0x6d: {  	p0 =	por !p0, !p0;
	s19 =	sadd.s32 $0x1F40, s19;
	s22 =	smov.u32 @p2 s2  }
0x6e: {  	s20 =	sadd.s32 $0x1, s20;
	s23 =	smov.u32 s22;
	s24 =	smov.u32 s31  }
.LBB3_1:
0x6f: {  	p1 =	sge.u32 s24, s10  }
0x70: {  	s0 =	smulhi.u32 @!p1 $0xAAAAAAAB, s24;
	_ =	sdelay $0x1  }
0x71: {  	s0 =	sshrl.u32 @!p1 s0, $0x1  }
0x72: {  	s0 =	smul.u32 @!p1 $0x3, s0;
	_ =	sdelay $0x1  }
0x73: {  	s0 =	ssub.s32 @!p1 s24, s0  }
0x74: {  	s0 =	smul.u32 @!p1 $0x7D00, s0;
	_ =	sdelay $0x1  }
0x75: {  	s2 =	sshrl.u32 @!p1 s23, $0x3;
	s0 =	sshrl.u32 @!p1 s0, $0x2  }
0x76: {  	s22 =	sand.u32 @!p1 $0x7, s23;
	s2 =	sadd.s32 @!p1 s3, s2;
	s0 =	sadd.s32 @!p1 $0x100, s0  }
0x77: {  	[tilespmem:s0], [sflag:$0x7] =	stream.linear.gather @!p1 [hbm4b:s2+s22], $0x1F40, $0x38;
	[tilespmem:$0x11A60] =	vst v63  }
0x78: {  	s0 =	sadd.s32 $0xFFFFFFFF, s24  }
0x79: {  	p1 =	sge.u32 s0, s10  }
.Ltmp10:
0x7a: {  	_ = 	snop;
	(pc) =	sbr.rel @p1 .LBB3_5-.Ltmp10, $1  }
0x7b: {  	_ =	sdelay $0x3  }
0x7c: {  	s2 =	smulhi.u32 $0xAAAAAAAB, s0;
	_ =	sdelay $0x1  }
0x7d: {  	s2 =	sshrl.u32 s2, $0x1  }
0x7e: {  	s2 =	smul.u32 $0x3, s2;
	_ =	sdelay $0x1  }
0x7f: {  	s2 =	ssub.s32 s0, s2  }
0x80: {  	s2 =	smul.u32 $0x7D00, s2  }
0x81: {  	_ =	swait.ge [sflag:s7], $0x1F40  }
0x82: {  	[sflag:s7] =	ssyncset.done $0x0;
	s2 =	sshrl.u32 s2, $0x2  }
0x83: {  	[sflag:s7] =	ssyncadd.s32 $0xFFFFE0C0;
	(ifvalue) =	ssetifvalue $0xFFFFFFFF;
	v3 =	vld.msk [tilespmem:s2+$0x100 ss:$0x1], $0xffff;
	_ =	sdelay $0x2  }
0x84: {  	s30 =	smulhi.u32 $0xAAAAAAAB, s18;
	p1 =	sne.s32 s24, $0x1  }
0x85: {  	v4 =	vimm.s32 @!p1 $0x0  }
0x86: {  	s2 =	sshrl.u32 s30, $0x1;
	v4 =	vperm.xlane @!p1 v3, v4  }
0x87: {  	s22 =	sshll.u32 s24, $0x4;
	s2 =	smul.u32 $0xFFFE8900, s2;
	vm4 =	vlt.u32 v3, $0x2800  }
0x88: {  	s22 =	sand.u32 $0x10, s22;
	v3 =	vnsel vm4, $0xFFFFFFFE, v3;
	vm4 =	vlt.u32 @!p1 v4, $0x2800  }
0x89: {  	s2 =	sshra.s32 s2, $0x2;
	[tilespmem:s22+$0x60] =	vst v3;
	v3 =	vnsel @!p1 vm4, $0xFFFFFFFE, v4  }
0x8a: {  	s28 =	sadd.s32 s2, s17;
	[tilespmem:$0x80] =	vst @!p1 v3  }
0x8b: {  	v3 =	vld.msk [tilespmem:s28+$0x0 ss:$0x1], $0xffff;
	_ =	sdelay $0x4  }
0x8c: {  	(xrf1) =	vunique.msk.u32 $0xffff, v3;
	_ =	sdelay $0xd  }
0x8d: {  	v4 =	vimm.s32 $0xFFFFFFFF;
	v5, _, _ =	vpop (xrf1)  }
0x8e: {  	vm5 =	vne.s32 v3, v4;
	vm4 =	veq.s32 v5, v2  }
0x8f: {  	vm6 =	vlt.u32 v3, $0x2800;
	vm4 =	vmand vm5, vm4  }
0x90: {  	vm4 =	vmand vm6, vm4  }
0x91: {  	v4 =	vnsel vm4, $0xFFFFFFFF, v3  }
0x92: {  	s31 =	sand.u32 $0x1, s0  }
0x93: {  	s0 =	simm.s32 $0x1F40;
	p1 =	seq.s32 s31, $0x1  }
0x94: {  	s0 =	simm.s32 @!p1 $0x0  }
0x95: {  	s26 =	sadd.s32 $0x7DF0, s0;
	(ifvalue) =	ssetifvalue $0xFFFFFFFF  }
0x96: {  	v3 =	vperm.xlane v3, v1;
	[tilespmem:s26], [sflag:$0x8] =	stream.indirect_vreg.gather [hbm4b:s1+s16], $0x1, v4, vm0, $0x4038;
	v4 =	vnsel vm6, $0xFFFFFFFE, v4;
	[tilespmem:$0x11A60] =	vst v63  }
0x97: {  	s2 =	simm.s32 $0x0;
	s22 =	sadd.s32 $0xFFFFFFF0, s28;
	[tilespmem:s28+$0x0] =	vst v4  }
.LBB3_3:
0x98: {  	v4 =	vld.msk [tilespmem:s22+$0x0 ss:$0x1], $0xffff;
	s2 =	sadd.s32 $0x10, s2;
	v5 =	vmov v3;
	s28 =	smov.u32 s22  }
0x99: {  	p1 =	slt.u32 s2, $0x1F30;
	_ =	sdelay $0x4  }
0x9a: {  	v3 =	vperm.xlane v4, v1;
	(xrf1) =	vunique.msk.u32 $0xffff, v4;
	_ =	sdelay $0xd  }
0x9b: {  	v6, _, _ =	vpop (xrf1)  }
0x9c: {  	vm5 =	vne.s32 v4, v5;
	vm4 =	veq.s32 v6, v2  }
0x9d: {  	vm6 =	vlt.u32 v4, $0x2800;
	vm4 =	vmand vm5, vm4  }
0x9e: {  	vm4 =	vmand vm6, vm4  }
0x9f: {  	v4 =	vnsel vm4, $0xFFFFFFFF, v4  }
.Ltmp11:
0xa0: {  	v5 =	vnsel vm6, $0xFFFFFFFE, v4;
	(pc) =	sbr.rel @p1 .LBB3_3-.Ltmp11, $3  }
0xa1: {  	_ =	sdelay $0x1  }
0xa2: {  	s22 =	sadd.s32 $0xFFFFFFF0, s22;
	s26 =	sadd.s32 $0xFFFFFFF0, s26;
	(ifvalue) =	ssetifvalue $0xFFFFFFFF  }
0xa3: {  	[tilespmem:s26], [sflag:$0x8] =	stream.indirect_vreg.gather [hbm4b:s1+s16], $0x1, v4, vm0, $0x4038;
	[tilespmem:s28+$0x0] =	vst v5  }
0xa4: {  	s2 =	sshrl.u32 s25, $0x3  }
0xa5: {  	s0 =	sadd.s32 $0x9D40, s0;
	s2 =	sadd.s32 s9, s2  }
0xa6: {  	[tilespmem:s0], [sflag:$0x8] =	stream.linear.gather [hbm:s2], $0x1F40, $0x38;
	[tilespmem:$0x11A60] =	vst v63  }
.LBB3_5:
0xa7: {  	p1 =	slt.u32 s24, $0x2  }
0xa8: {  	p2 =	sge.u32 @!p1 s24, s12  }
0xa9: {  	p1 =	por p1, p2  }
.Ltmp12:
0xaa: {  	_ = 	snop;
	(pc) =	sbr.rel @p1 .LBB3_9-.Ltmp12, $1  }
0xab: {  	_ =	sdelay $0x3  }
0xac: {  	s0 =	sadd.s32 $0xFFFFFFFE, s24  }
0xad: {  	s2 =	smulhi.u32 $0xAAAAAAAB, s0;
	_ =	sdelay $0x1  }
0xae: {  	s2 =	sshrl.u32 s2, $0x1  }
0xaf: {  	s2 =	smul.u32 $0x3, s2;
	_ =	sdelay $0x1  }
0xb0: {  	s0 =	ssub.s32 s0, s2  }
0xb1: {  	_ =	swait.ge [sflag:s8], $0x3E80;
	s0 =	smul.u32 $0x1F40, s0  }
0xb2: {  	p1 =	sne.s32 s24, s11;
	[sflag:s8] =	ssyncset.done $0x0  }
0xb3: {  	[sflag:s8] =	ssyncadd.s32 $0xFFFFC180;
	s2 =	sadd.s32 @!p1 $0x203F, s0  }
0xb4: {  	[spmem:s14] =	stream.linear.scatter @!p1 [tilespmem:s2], [sflag:$0x1], $0x1, $0x38;
	[tilespmem:$0x11A60] =	vst v63  }
0xb5: {  	s2 =	simm.s32 @!p1 $0x1  }
0xb6: {  	_ =	swait.ge @!p1 [sflag:s2], $0x1  }
0xb7: {  	s22 =	sshll.u32 s24, $0x4;
	[sflag:s2] =	ssyncset.done @!p1 $0x0  }
0xb8: {  	s25 =	sand.u32 $0x10, s22;
	[sflag:s2] =	ssyncadd.s32 @!p1 $0xFFFFFFFF  }
0xb9: {  	s2 =	sxor.u32 $0x10, s25;
	v4 =	vld [tilespmem:s25+$0x10]  }
0xba: {  	v5 =	vld [tilespmem:s2+$0x60]  }
0xbb: {  	v3 =	vld [tilespmem:$0x80];
	_ =	sdelay $0x2  }
0xbc: {  	(v2sf) =	vpush v4, $0x0  }
0xbd: {  	(v2sf) =	vpush v5, $0x0  }
0xbe: {  	(v2sf) =	vpush v3, $0x0;
	_ =	sdelay $0xc  }
0xbf: {  	s22 =	spop (v2sf)  }
0xc0: {  	s26 =	spop (v2sf)  }
0xc1: {  	s28 =	spop (v2sf)  }
0xc2: {  	p2 =	seq.s32 s22, s26;
	p3 =	seq.s32 s28, s22  }
0xc3: {  	p3 =	por p2, p3  }
0xc4: {  	s26 =	sand.u32 $0x1, s24;
	v4 =	vpsel p3, $0xFFFFFFFF, v4  }
0xc5: {  	s29 =	smul.u32 $0x1F40, s26;
	[tilespmem:s25+$0x10] =	vst.msk $0x1, v4  }
0xc6: {  	v4 =	vld [tilespmem:$0x30]  }
0xc7: {  	v5 =	vld [tilespmem:s29+$0x9D40]  }
0xc8: {  	v6 =	vld [tilespmem:s25+$0x40];
	_ =	sdelay $0x3  }
0xc9: {  	vm4 =	vmmov vm1;
	v5 =	vadd.f32 v5, v4  }
0xca: {  	vm5 =	vmmov vm2;
	vm4 =	vmmov @p2 vm2;
	s22 =	sshll.u32 s26, $0x4;
	v4 =	vadd.f32 v6, v4  }
0xcb: {  	s26 =	sor.u32 $0x11A40, s22;
	vm5 =	vmmov @p3 vm1;
	[tilespmem:s29+$0x9D40] =	vst.msk vm4, v5  }
0xcc: {  	[tilespmem:s26+$0x0] =	vst.msk vm5, v4  }
0xcd: {  	v4 =	vld [tilespmem:s29+$0x7DF0];
	_ =	sdelay $0x3  }
0xce: {  	v5 =	vimm.f32 $0.0e+00  }
0xcf: {  	v4 =	vshift.insert v4, v5, s21  }
0xd0: {  	s22 =	sor.u32 $0x40, s2  }
0xd1: {  	[tilespmem:s22+$0x0] =	vst.msk $0x1, v4  }
0xd2: {  	[tilespmem:s29+$0x7DFF] =	vst.msk $0x1, v5  }
0xd3: {  	v4 =	vld [tilespmem:s0+$0x2030];
	_ =	sdelay $0x1  }
0xd4: {  	s22 =	smulhi.u32 $0xAAAAAAAB, s20;
	s0 =	simm.s32 $0x1  }
0xd5: {  	s0 =	simm.s32 @!p0 $0x0  }
0xd6: {  	s22 =	sshrl.u32 s22, $0x1;
	s0 =	smul.u32 $0x7D00, s0  }
0xd7: {  	s22 =	smul.u32 $0xFFFE8900, s22;
	v4 =	vshift.insert v4, v1, s21  }
0xd8: {  	s0 =	sshrl.u32 s0, $0x2  }
0xd9: {  	s22 =	sshra.s32 s22, $0x2;
	s30 =	sadd.s32 $0x9D40, s0;
	[tilespmem:s2+$0x10] =	vst.msk $0x1, v4  }
0xda: {  	s22 =	sadd.s32 s22, s19;
	v6 =	vld [tilespmem:s30+$0x0]  }
0xdb: {  	v7 =	vld [tilespmem:s22+$0x0];
	_ =	sdelay $0x3  }
0xdc: {  	v5 =	vadd.f32 v6, v5  }
0xdd: {  	vm4 =	vne.s32 v7, $0xFFFFFFFF  }
0xde: {  	(xrf2) =	vadd.seg.scan.f32 vm4, v5;
	_ =	sdelay $0x3  }
0xdf: {  	s31 =	sadd.s32 $0x5EC0, s0;
	v5 =	vperm.xlane v4, v1  }
0xe0: {  	v6 =	vld [tilespmem:s31+$0x0]  }
0xe1: {  	vm5 =	veq.s32 v7, v3;
	vm6 =	veq.s32 v7, v5  }
0xe2: {  	vm7 =	vgt.u32 v7, $0xFFFFFFFD;
	vm6 =	vmor vm6, vm5  }
0xe3: {  	vm6 =	vmor vm6, vm7  }
0xe4: {  	v9 =	vld [tilespmem:$0xA0];
	v7 =	vsel vm6, $0xFFFFFFFF, v7  }
0xe5: {  	v10 =	vld [tilespmem:$0x90];
	v6 =	vsel vm5, $0x0, v6;
	v8, _, _ =	vpop (xrf2)  }
0xe6: {  	v6 =	vadd.f32 v8, v6  }
0xe7: {  	s0 =	sadd.s32 $0xDBC0, s0  }
0xe8: {  	vm4 =	vmand vm4, vm3;
	[tilespmem:s0+$0x0] =	vst v6;
	(ifvalue) =	ssetifvalue $0xFFFFFFFF  }
0xe9: {  	vm6 =	veq.s32 v9, $0x1;
	[hbm4b:s1+s16] =	stream.indirect_vreg.scatter [tilespmem:s0], [sflag:$0x2], $0x1, v7, vm0, $0x4038;
	v7 =	vsel vm4, $0x0, v8;
	[tilespmem:$0x11A60] =	vst v63  }
0xea: {  	s2 =	simm.s32 $0x0;
	s22 =	sadd.s32 $0x10, s22;
	vm4 =	vmor vm6, vm5;
	v6 =	vsel vm5, v8, v10;
	v7 =	vshift.insert v7, v0, s21  }
.LBB3_7:
0xeb: {  	v8 =	vld [tilespmem:s22+$0x0];
	s30 =	sadd.s32 $0x10, s30  }
0xec: {  	s31 =	sadd.s32 $0x10, s31;
	v9 =	vld [tilespmem:s30+$0x0]  }
0xed: {  	s2 =	sadd.s32 $0x10, s2;
	v10 =	vld [tilespmem:s31+$0x0]  }
0xee: {  	p2 =	slt.u32 s2, $0x1F30;
	_ =	sdelay $0x2  }
0xef: {  	v7 =	vadd.f32 v9, v7  }
0xf0: {  	vm5 =	vne.s32 v8, $0xFFFFFFFF  }
0xf1: {  	vm6 =	vmand vm5, vm3;
	(xrf2) =	vadd.seg.scan.f32 vm5, v7;
	_ =	sdelay $0x5  }
0xf2: {  	vm7 =	veq.s32 v8, v5;
	vm5 =	veq.s32 v8, v3  }
0xf3: {  	vm8 =	vgt.u32 v8, $0xFFFFFFFD;
	vm4 =	vmor vm4, vm5;
	vm7 =	vmor vm7, vm5  }
0xf4: {  	vm7 =	vmor vm7, vm8  }
0xf5: {  	v8 =	vsel vm7, $0xFFFFFFFF, v8  }
.Ltmp13:
0xf6: {  	v7 =	vsel vm5, $0x0, v10;
	v9, _, _ =	vpop (xrf2);
	(pc) =	sbr.rel @p2 .LBB3_7-.Ltmp13, $4  }
0xf7: {  	v6 =	vsel vm5, v9, v6;
	v10 =	vadd.f32 v9, v7;
	v7 =	vsel vm6, $0x0, v9  }
0xf8: {  	s0 =	sadd.s32 $0x10, s0;
	v7 =	vshift.insert v7, v0, s21  }
0xf9: {  	s22 =	sadd.s32 $0x10, s22;
	[tilespmem:s0+$0x0] =	vst v10;
	(ifvalue) =	ssetifvalue $0xFFFFFFFF  }
0xfa: {  	[hbm4b:s1+s16] =	stream.indirect_vreg.scatter [tilespmem:s0], [sflag:$0x2], $0x1, v8, vm0, $0x4038;
	[tilespmem:$0x11A60] =	vst v63  }
0xfb: {  	v3 =	vld [tilespmem:s29+$0xFAF0];
	_ =	sdelay $0x4  }
0xfc: {  	v3 =	vshift.insert v3, v0, s21  }
0xfd: {  	s0 =	simm.s32 $0x30  }
0xfe: {  	[tilespmem:s0+$0x0] =	vst.msk $0x1, v3  }
0xff: {  	v3 =	vsel vm4, $0x1, v1;
	[tilespmem:$0x90] =	vst v6  }
0x100: {  	s0 =	sadd.s32 @!p1 $0xFAFF, s29;
	[tilespmem:$0xA0] =	vst v3  }
0x101: {  	[spmem:s15] =	stream.linear.scatter @!p1 [tilespmem:s0], [sflag:$0x1], $0x1, $0x38;
	[tilespmem:$0x11A60] =	vst v63  }
0x102: {  	s0 =	simm.s32 @!p1 $0x1  }
0x103: {  	v3 =	vmctz.xlane @!p1 vm4;
	_ =	swait.ge @!p1 [sflag:s0], $0x1  }
0x104: {  	(v2sf) =	vpush @!p1 v4, $0x0  }
0x105: {  	(v2sf) =	vpush @!p1 v3, $0x0;
	_ =	sdelay $0xd  }
0x106: {  	s2 =	spop @!p1 (v2sf)  }
0x107: {  	s22 =	spop @!p1 (v2sf)  }
0x108: {  	p2 =	sne.s32 @!p1 s28, s2;
	p3 =	slt.s32 @!p1 s22, $0xF  }
0x109: {  	[sflag:s0] =	ssyncset.done @!p1 $0x0;
	p2 =	por p2, p1;
	p3 =	por !p3, p1  }
0x10a: {  	[sflag:s0] =	ssyncadd.s32 @!p1 $0xFFFFFFFF;
	v3 =	vimm.s32 @!p2 $0xFFFFFFFF;
	s22 =	simm.s32 @p3 $0xF  }
0x10b: {  	[tilespmem:$0x80] =	vst @!p2 v3;
	s2 =	sadd.s32 @!p1 $0x90, s22  }
0x10c: {  	[spmem:s4] =	stream.linear.scatter @!p1 [tilespmem:s2], [sflag:$0x1], $0x1, $0x38;
	[tilespmem:$0x11A60] =	vst v63  }
0x10d: {  	_ =	swait.ge @!p1 [sflag:s0], $0x1  }
0x10e: {  	[sflag:s0] =	ssyncset.done @!p1 $0x0  }
0x10f: {  	s2 =	simm.s32 @!p1 $0x80;
	[sflag:s0] =	ssyncadd.s32 @!p1 $0xFFFFFFFF  }
0x110: {  	[spmem:s13] =	stream.linear.scatter @!p1 [tilespmem:s2], [sflag:$0x1], $0x1, $0x38;
	[tilespmem:$0x11A60] =	vst v63  }
0x111: {  	_ =	swait.ge @!p1 [sflag:s0], $0x1  }
0x112: {  	[sflag:s0] =	ssyncset.done @!p1 $0x0  }
0x113: {  	[sflag:s0] =	ssyncadd.s32 @!p1 $0xFFFFFFFF;
	(ifvalue) =	ssetifvalue $0xFFFFFFFF;
	v3 =	vld [tilespmem:s25+$0x10];
	_ =	sdelay $0x3  }
.Ltmp14:
0x114: {  	_ = 	snop;
	(pc) =	sbr.rel .LBB3_9-.Ltmp14, $3  }
0x115: {  	_ =	sdelay $0x1  }
0x116: {  	(ifvalue) =	ssetifvalue $0xFFFFFFFF  }
0x117: {  	[hbm4b:s1+s16] =	stream.indirect_vreg.scatter [tilespmem:s26], [sflag:$0x9], $0x1, v3, vm0, $0x4038;
	[tilespmem:$0x11A60] =	vst v63  }
.LBB3_10:
0x118: {  	_ =	sfence.sel $0x180000  }
0x119: {  	s0 =	simm.s32 $0x7;
	[bflag:$0x0] =	sbarrier.arrive $0xFFFF  }
0x11a: {  	s26 =	simm.s32 $0x8;
	[sflag:s0] =	ssyncpa.u1 $0x1  }
0x11b: {  	s28 =	simm.s32 $0x9;
	[sflag:s26] =	ssyncpa.u1 $0x1  }
0x11c: {  	[sflag:s28] =	ssyncpa.u1 $0x1  }
0x11d: {  	_ =	sfence.stream.spmem  }
0x11e: {  	s29 =	simm.s32 $0x3;
	[bflag:$0x0] =	sbarrier.arrive $0xFFFF  }
0x11f: {  	s30 =	simm.s32 $0x4;
	[sflag:s29] =	ssyncpa.u1 $0x1  }
0x120: {  	s31 =	simm.s32 $0x3C;
	s2 =	stileid.u32;
	[sflag:s30] =	ssyncpa.u1 $0x1  }
0x121: {  	p0 =	sne.s32 s2, $0x0;
	[sflag:s31] =	ssyncpa.u1 $0x1  }
0x122: {  	s0 =	simm.s32 @p0 $0x1;
	_ =	sfence @p0  }
0x123: {  	[sflag:s0] =	ssyncpa.u1 @p0 $0x1;
	s0 =	simm.s32 @p0 $0x2  }
0x124: {  	[sflag:s0] =	ssyncpa.u1 @p0 $0x1  }
0x125: {  	_ =	strace @p0 $0x90000053  }
0x126: {  	[bflag:$0x2] =	sbarrier.arrive @p0 $0xFFFF  }
0x127: {  	_ =	shalt @p0  }
.LBB3_11:
0x128: {  	_ =	sfence.stream.spmem;
	s0 =	simm.s32 $0x5  }
0x129: {  	s2 =	simm.s32 $0x80;
	s3 =	simm.s32 $0xC0;
	[sflag:s0] =	ssyncpa.u1 $0x0  }
0x12a: {  	[tilespmem:s3], [sflag:$0x5] =	stream.linear.gather [spmem:s2], $0x20, $0x38;
	[tilespmem:$0x11A60] =	vst v63  }
0x12b: {  	s2 =	simm.s32 $0x0;
	s3 =	simm.s32 $0xE0  }
0x12c: {  	[tilespmem:s3], [sflag:$0x5] =	stream.linear.gather [spmem:s2], $0x20, $0x38;
	[tilespmem:$0x11A60] =	vst v63  }
.Ltmp15:
0x12d: {  	_ = 	snop;
	(pc) =	sbr.rel .LBB3_12-.Ltmp15, $4  }
0x12e: {  	_ =	swait.ge [sflag:s0], $0x40  }
0x12f: {  	[sflag:s0] =	ssyncset.done $0x0  }
0x130: {  	s31 =	simm.s32 $0x6;
	[sflag:s0] =	ssyncadd.s32 $0xFFFFFFC0  }
0x131: {  	s4 =	simm.s32 $0x0;
	[sflag:s31] =	ssyncpa.u1 $0x0  }
.LBB3_17:
0x132: {  	p0 =	sgt.u32 s5, $0x27FF  }
0x133: {  	s0 =	sshrl.u32 @!p0 s5, $0x3  }
0x134: {  	s5 =	sand.u32 @!p0 $0x7, s5;
	s6 =	simm.s32 @!p0 $0xB0;
	s0 =	sadd.s32 @!p0 s1, s0  }
0x135: {  	[tilespmem:s6], [sflag:$0x6] =	stream.linear.gather @!p0 [hbm4b:s0+s5], $0x1, $0x38;
	[tilespmem:$0x11A60] =	vst v63  }
0x136: {  	s0 =	simm.s32 @!p0 $0x6  }
0x137: {  	_ =	swait.ge @!p0 [sflag:s0], $0x1  }
0x138: {  	[sflag:s0] =	ssyncset.done @!p0 $0x0  }
0x139: {  	[sflag:s0] =	ssyncadd.s32 @!p0 $0xFFFFFFFF  }
0x13a: {  	v2 =	vmov @!p0 s4;
	v1 =	vld.msk @!p0 [tilespmem:$0xB0], $0x1;
	_ =	sdelay $0x3  }
0x13b: {  	s0 =	simm.s32 @!p0 $0xE0  }
0x13c: {  	[tilespmem:v2+s0+$0x0], v1 =	vst.idx.ret.add.f32.msk @!p0 $0x1, v1  }
0x13d: {  	[tilespmem:s2+$0xC0] =	vst.msk $0x1, v0  }
0x13e: {  	v0 =	vld.msk [tilespmem:s4+$0xE0], $0x1;
	_ =	sdelay $0x4  }
0x13f: {  	[tilespmem:s2+$0xE0] =	vst.msk $0x1, v0;
	s2 =	sadd.s32 $0x1, s2  }
.LBB3_19:
0x140: {  	s4 =	sadd.s32 $0x1, s4  }
0x141: {  	p0 =	sne.s32 s4, $0x20  }
.Ltmp16:
0x142: {  	_ = 	snop;
	(pc) =	sbr.rel @!p0 .LBB3_20-.Ltmp16, $1  }
0x143: {  	_ =	sdelay $0x3  }
.LBB3_12:
0x144: {  	v0 =	vld.msk [tilespmem:s4+$0xC0], $0x1;
	_ =	sdelay $0x4  }
0x145: {  	(v2sf) =	vpush v0, $0x0;
	_ =	sdelay $0xe  }
0x146: {  	s5 =	spop (v2sf)  }
0x147: {  	p0 =	seq.s32 s5, $0xFFFFFFFF  }
.Ltmp17:
0x148: {  	_ = 	snop;
	(pc) =	sbr.rel @p0 .LBB3_19-.Ltmp17, $1  }
0x149: {  	_ =	sdelay $0x3  }
0x14a: {  	p0 =	slt.s32 s2, $0x1  }
.Ltmp18:
0x14b: {  	_ = 	snop;
	(pc) =	sbr.rel @p0 .LBB3_17-.Ltmp18, $1  }
0x14c: {  	_ =	sdelay $0x3  }
0x14d: {  	s0 =	simm.s32 $0xC0;
	p0 =	por $0x0, $0x0  }
0x14e: {  	v1 =	vld.msk @!p0 [tilespmem:s0+$0x0], $0x1;
	_ =	sdelay $0x4  }
0x14f: {  	(v2sf) =	vpush @!p0 v1, $0x0;
	_ =	sdelay $0xd  }
0x150: {  	p2 =	sne.s32 s2, $0x1  }
.Ltmp19:
0x151: {  	s6 =	spop @!p0 (v2sf);
	(pc) =	sbr.rel @!p2 .LBB3_16-.Ltmp19, $4  }
0x152: {  	p1 =	seq.s32 @!p0 s5, s6  }
0x153: {  	s6 =	simm.s32 $0x0;
	p1 =	por !p1, p0  }
0x154: {  	s8 =	simm.s32 $0xFFFFFFFF;
	s6 =	simm.s32 @p1 $0xFFFFFFFF  }
0x155: {  	s7 =	simm.s32 $0x1;
	s6 =	smov.u32 @p0 s8  }
.LBB3_15:
0x156: {  	s8 =	smov.u32 s6;
	p0 =	sne.s32 s6, $0xFFFFFFFF  }
0x157: {  	s0 =	sadd.s32 $0x1, s0;
	s6 =	smov.u32 s7;
	s7 =	sadd.s32 $0x1, s7  }
0x158: {  	p1 =	sne.s32 s2, s7;
	v1 =	vld.msk @!p0 [tilespmem:s0+$0x0], $0x1;
	_ =	sdelay $0x4  }
0x159: {  	(v2sf) =	vpush @!p0 v1, $0x0;
	_ =	sdelay $0xe  }
.Ltmp20:
0x15a: {  	s9 =	spop @!p0 (v2sf);
	(pc) =	sbr.rel @p1 .LBB3_15-.Ltmp20, $4  }
0x15b: {  	p2 =	seq.s32 @!p0 s5, s9  }
0x15c: {  	p2 =	por !p2, p0  }
0x15d: {  	s6 =	simm.s32 @p2 $0xFFFFFFFF  }
0x15e: {  	s6 =	smov.u32 @p0 s8  }
.LBB3_16:
0x15f: {  	p0 =	sne.s32 s6, $0xFFFFFFFF  }
.Ltmp21:
0x160: {  	_ = 	snop;
	(pc) =	sbr.rel @!p0 .LBB3_17-.Ltmp21, $1  }
0x161: {  	_ =	sdelay $0x3  }
0x162: {  	v0 =	vld.msk [tilespmem:s4+$0xE0], $0x1;
	v1 =	vmov s6  }
.Ltmp22:
0x163: {  	_ = 	snop;
	(pc) =	sbr.rel .LBB3_19-.Ltmp22, $2  }
0x164: {  	_ =	sdelay $0x2  }
0x165: {  	[tilespmem:v1+s3+$0x0], v0 =	vst.idx.ret.add.f32.msk $0x1, v0  }
.LBB3_20:
0x166: {  	p0 =	slt.s32 s2, $0x1  }
.Ltmp23:
0x167: {  	_ = 	snop;
	(pc) =	sbr.rel @p0 .LBB3_24-.Ltmp23, $3  }
0x168: {  	_ =	sdelay $0x1  }
0x169: {  	s0 =	simm.s32 $0x6  }
0x16a: {  	s3 =	simm.s32 $0x0;
	[sflag:s0] =	ssyncpa.u1 $0x1  }
0x16b: {  	s0 =	simm.s32 $0xC0  }
0x16c: {  	v0 =	vld.msk [tilespmem:s0+$0x0], $0x1;
	_ =	sdelay $0x4  }
0x16d: {  	(v2sf) =	vpush v0, $0x0;
	_ =	sdelay $0xe  }
0x16e: {  	s2 =	sadd.s32 $0xFFFFFFFF, s2;
	s4 =	spop (v2sf)  }
0x16f: {  	p1 =	sne.s32 s2, $0x0;
	p0 =	sgt.u32 s4, $0x27FF  }
.Ltmp24:
0x170: {  	s5 =	sshrl.u32 @!p0 s4, $0x3;
	(pc) =	sbr.rel @!p1 .LBB3_23-.Ltmp24, $4  }
0x171: {  	s0 =	simm.s32 $0xE0;
	s4 =	sand.u32 @!p0 $0x7, s4;
	s5 =	sadd.s32 @!p0 s1, s5  }
0x172: {  	[hbm4b:s5+s4] =	stream.linear.scatter @!p0 [tilespmem:s0], [sflag:$0x5], $0x1, $0x38;
	[tilespmem:$0x11A60] =	vst v63  }
0x173: {  	s5 =	simm.s32 $0x0  }
0x174: {  	s4 =	simm.s32 $0xC1;
	s5 =	simm.s32 @!p0 $0x4  }
.LBB3_22:
0x175: {  	v0 =	vld.msk [tilespmem:s4+$0x0], $0x1;
	s2 =	sadd.s32 $0xFFFFFFFF, s2;
	s3 =	sadd.s32 s3, s5  }
0x176: {  	p0 =	sne.s32 s2, $0x0;
	_ =	sdelay $0x3  }
0x177: {  	(v2sf) =	vpush v0, $0x0;
	_ =	sdelay $0xe  }
.Ltmp25:
0x178: {  	s6 =	spop (v2sf);
	(pc) =	sbr.rel @p0 .LBB3_22-.Ltmp25, $4  }
0x179: {  	s5 =	simm.s32 $0x0;
	p1 =	sgt.u32 s6, $0x27FF  }
0x17a: {  	s0 =	sadd.s32 $0x1, s0;
	s5 =	simm.s32 @!p1 $0x4;
	s7 =	sshrl.u32 @!p1 s6, $0x3  }
0x17b: {  	s4 =	sadd.s32 $0x1, s4;
	s6 =	sand.u32 @!p1 $0x7, s6;
	s7 =	sadd.s32 @!p1 s1, s7  }
0x17c: {  	[hbm4b:s7+s6] =	stream.linear.scatter @!p1 [tilespmem:s0], [sflag:$0x5], $0x1, $0x38;
	[tilespmem:$0x11A60] =	vst v63  }
.LBB3_23:
0x17d: {  	s0 =	sadd.s32 s3, s5  }
0x17e: {  	s3 =	sshrl.u32 s0, $0x2  }
.LBB3_24:
0x17f: {  	s0 =	simm.s32 $0x5  }
0x180: {  	_ =	swait.ge [sflag:s0], s3  }
0x181: {  	s1 =	ssub.s32 $0x0, s3;
	[sflag:s0] =	ssyncset.done $0x0  }
0x182: {  	[sflag:s0] =	ssyncadd.s32 s1  }
0x183: {  	[sflag:s0] =	ssyncpa.u1 $0x1  }
0x184: {  	s29 =	simm.s32 $0x1;
	_ =	sfence  }
0x185: {  	s30 =	simm.s32 $0x2;
	[sflag:s29] =	ssyncpa.u1 $0x1  }
0x186: {  	[sflag:s30] =	ssyncpa.u1 $0x1  }
0x187: {  	_ =	strace $0x90000053  }
0x188: {  	[bflag:$0x2] =	sbarrier.arrive $0xFFFF  }
0x189: {  	s31 =	rddreg [dreg:$0x2]  }
0x18a: {  	s0 =	sadd.s32 $0x100000, s31  }
0x18b: {  	[sflag:s0] =	ssyncadd.tile.s32 $0x1;
	_ =	shalt  }
.Lfunc_end3:
_tile_overlayer_lowered:
.L_overlay_start_3:
0x18c: {  	(tag) =	ssettag $0x3  }
0x18d: {  	s0 =	rddreg [dreg:$0x0];
	s2 =	stileid.u32  }
0x18e: {  	s1 =	rddreg [dreg:$0x1];
	p0 =	sne.s32 s2, $0x0  }
0x18f: {  	s3 =	rddreg [dreg:$0x2];
	[bflag:$0x3] =	sbarrier.arrive $0xFFFF;
	s2 =	simm.s32 @!p0 $0x1C01  }
0x190: {  	[timem:s3], [sflag:s2] =	dma.local @!p0 [hbm:s0], s1  }
0x191: {  	s0 =	simm.s32 @!p0 $0x1  }
0x192: {  	_ =	swait.ge @!p0 [sflag:s0], s1  }
0x193: {  	s1 =	ssub.s32 @!p0 $0x0, s1;
	[sflag:s0] =	ssyncset.done @!p0 $0x0  }
0x194: {  	[sflag:s0] =	ssyncadd.s32 @!p0 s1  }
0x195: {  	[bflag:$0x3] =	sbarrier.arrive $0xFFFF  }
0x196: {  	_ =	shalt  }

// kernel: scatter_offload_async_start.2
scs
__scs_entry_jumppad:
0x0: {  	(pc) =	sbr.rel $0x88, $3  }
0x1: {  	(tag) =	ssettag $0x0;
	lr =	simm.s32 $0x1  }
0x2: {  	[smem:$0x3F96] =	sst lr;
	_ =	strace $0xD0000000  }
0x3: {  	_ = 	snop  }
0x4: {  	_ = 	snop  }
0x5: {  	_ = 	snop  }
0x6: {  	_ = 	snop  }
0x7: {  	_ = 	snop  }
__scs_overlays_trampoline_lowered:
0x8: {  	[smem:$0x3FA5] =	sst s0  }
0x9: {  	[smem:$0x3FA6] =	sst s1  }
0xa: {  	[smem:$0x3FA7] =	sst s2  }
0xb: {  	[smem:$0x3FA8] =	sst s3  }
0xc: {  	[smem:$0x3FA9] =	sst s4  }
0xd: {  	[smem:$0x3FAA] =	sst s5  }
0xe: {  	[smem:$0x3FAB] =	sst s6  }
0xf: {  	[smem:$0x3FAC] =	sst s7  }
0x10: {  	[smem:$0x3FAD] =	sst s8  }
0x11: {  	[smem:$0x3FAE] =	sst s9;
	s0 =	simm.s32 @!p0 $0x0  }
0x12: {  	s1 =	sld [smem:$0x3F94];
	s0 =	simm.s32 @p0 $0x1  }
0x13: {  	[smem:$0x3FAF] =	sst s0;
	s0 =	simm.s32 @!p1 $0x0  }
0x14: {  	s2 =	sld [smem:$0x3F93];
	s0 =	simm.s32 @p1 $0x1  }
0x15: {  	[smem:$0x3FB0] =	sst s0;
	s0 =	simm.s32 @!p2 $0x0  }
0x16: {  	s3 =	sld [smem:$0x3FDB];
	s0 =	simm.s32 @p2 $0x1  }
0x17: {  	s4 =	simm.s32 $0x1BF5;
	[smem:$0x3FB2] =	sst s0  }
0x18: {  	s0 =	sld [smem:$0x3F95];
	_ =	swait.ge [sflag:s4], $0x0  }
0x19: {  	s7 =	sld [smem:$0x3F96]  }
0x1a: {  	s8 =	sadd.s32 $0xFFFFE003, lr  }
0x1b: {  	s9 =	sadd.s32 $0xFFFFFEF7, lr;
	s5 =	simm.s32 $0xFFFFFFFF;
	p2 =	slt.u32 s8, $0xFFFFF086  }
0x1c: {  	p1 =	slt.u32 s9, $0xF7A;
	s5 =	simm.s32 @!p2 $0x0  }
0x1d: {  	s5 =	simm.s32 @p1 $0x1;
	p0 =	seq.s32 s7, s2  }
0x1e: {  	s7 =	smul.u32 @!p0 $0xF7A, s2;
	p2 =	seq.s32 @!p0 s5, $0x0  }
0x1f: {  	s9 =	smul.u32 $0xF7A, s1;
	s8 =	simm.s32 @!p0 $0x1BF5;
	p2 =	por !p2, p0  }
0x20: {  	[sflag:s8] =	ssyncset.s32 @!p0 $0xFFFFF086;
	s6 =	sadd.s32 @!p0 s3, s7;
	s7 =	simm.s32 @!p0 $0x108  }
0x21: {  	s3 =	sadd.s32 s3, s9;
	s6 =	sadd.s32 @!p0 $0x88, s6;
	s7 =	simm.s32 @p2 $0x1082  }
0x22: {  	[simem:s7], [sflag:s8] =	dma.local @!p0 [hbm:s6], $0xF7A  }
0x23: {  	s9 =	sor.u32 $0xD0000000, s2;
	s6 =	simm.s32 $0x108;
	_ =	swait.ge @!p0 [sflag:s8], $0x0  }
0x24: {  	s3 =	sadd.s32 $0x88, s3;
	s6 =	simm.s32 @!p1 $0x1082;
	[sflag:s4] =	ssyncset.s32 $0xFFFFF086  }
0x25: {  	[simem:s6], [sflag:s4] =	dma.local [hbm:s3], $0xF7A  }
0x26: {  	[smem:$0x3F96] =	sst s1;
	(tag) =	ssettag s2;
	_ =	strace s9  }
0x27: {  	s1 =	sld [smem:$0x3FA6]  }
0x28: {  	s2 =	sld [smem:$0x3FA7]  }
0x29: {  	s4 =	sld [smem:$0x3FA9]  }
0x2a: {  	p0 =	seq.s32 s5, $0x0;
	s5 =	sld [smem:$0x3FAA]  }
0x2b: {  	s6 =	sld [smem:$0x3FAB]  }
0x2c: {  	s7 =	sld [smem:$0x3FAC]  }
0x2d: {  	s3 =	simm.s32 $0x108;
	s8 =	sld [smem:$0x3FAD]  }
0x2e: {  	s3 =	simm.s32 @!p0 $0x1082;
	s9 =	sld [smem:$0x3FAE]  }
0x2f: {  	lr =	sadd.s32 s0, s3;
	s0 =	sld [smem:$0x3FA5]  }
0x30: {  	s3 =	sld [smem:$0x3FA8]  }
0x31: {  	[smem:$0x3FB1] =	sst s10  }
0x32: {  	s10 =	sld [smem:$0x3FAF];
	_ =	sdelay $0x3  }
0x33: {  	p0 =	seq.s32 s10, $0x1;
	s10 =	sld [smem:$0x3FB1];
	_ =	sdelay $0x3  }
0x34: {  	[smem:$0x3FB1] =	sst s10  }
0x35: {  	s10 =	sld [smem:$0x3FB0];
	_ =	sdelay $0x3  }
0x36: {  	p1 =	seq.s32 s10, $0x1;
	s10 =	sld [smem:$0x3FB1];
	_ =	sdelay $0x3  }
0x37: {  	[smem:$0x3FB1] =	sst s10  }
0x38: {  	s10 =	sld [smem:$0x3FB2]  }
0x39: {  	_ = 	snop;
	(pc) =	sbr.ind lr, $3  }
0x3a: {  	_ = 	snop  }
0x3b: {  	_ = 	snop  }
0x3c: {  	p2 =	seq.s32 s10, $0x1;
	s10 =	sld [smem:$0x3FB1]  }
0x3d: {  	_ =	shalt  }
0x3e: {  	_ =	shalt  }
0x3f: {  	_ =	shalt  }
0x40: {  	_ =	shalt  }
0x41: {  	_ =	shalt  }
0x42: {  	_ =	shalt  }
0x43: {  	_ =	shalt  }
0x44: {  	_ =	shalt  }
0x45: {  	_ =	shalt  }
0x46: {  	_ =	shalt  }
0x47: {  	_ =	shalt  }
0x48: {  	_ =	shalt  }
0x49: {  	_ =	shalt  }
0x4a: {  	_ =	shalt  }
0x4b: {  	_ =	shalt  }
0x4c: {  	_ =	shalt  }
0x4d: {  	_ =	shalt  }
0x4e: {  	_ =	shalt  }
0x4f: {  	_ =	shalt  }
0x50: {  	_ =	shalt  }
0x51: {  	_ =	shalt  }
0x52: {  	_ =	shalt  }
0x53: {  	_ =	shalt  }
0x54: {  	_ =	shalt  }
0x55: {  	_ =	shalt  }
0x56: {  	_ =	shalt  }
0x57: {  	_ =	shalt  }
0x58: {  	_ =	shalt  }
0x59: {  	_ =	shalt  }
0x5a: {  	_ =	shalt  }
0x5b: {  	_ =	shalt  }
0x5c: {  	_ =	shalt  }
0x5d: {  	_ =	shalt  }
0x5e: {  	_ =	shalt  }
0x5f: {  	_ =	shalt  }
0x60: {  	_ =	shalt  }
0x61: {  	_ =	shalt  }
0x62: {  	_ =	shalt  }
0x63: {  	_ =	shalt  }
0x64: {  	_ =	shalt  }
0x65: {  	_ =	shalt  }
0x66: {  	_ =	shalt  }
0x67: {  	_ =	shalt  }
0x68: {  	_ =	shalt  }
0x69: {  	_ =	shalt  }
0x6a: {  	_ =	shalt  }
0x6b: {  	_ =	shalt  }
0x6c: {  	_ =	shalt  }
0x6d: {  	_ =	shalt  }
0x6e: {  	_ =	shalt  }
0x6f: {  	_ =	shalt  }
0x70: {  	_ =	shalt  }
0x71: {  	_ =	shalt  }
0x72: {  	_ =	shalt  }
0x73: {  	_ =	shalt  }
0x74: {  	_ =	shalt  }
0x75: {  	_ =	shalt  }
0x76: {  	_ =	shalt  }
0x77: {  	_ =	shalt  }
0x78: {  	_ =	shalt  }
0x79: {  	_ =	shalt  }
0x7a: {  	_ =	shalt  }
0x7b: {  	_ =	shalt  }
0x7c: {  	_ =	shalt  }
0x7d: {  	_ =	shalt  }
0x7e: {  	_ =	shalt  }
0x7f: {  	_ =	shalt  }
0x80: {  	_ =	shalt  }
0x81: {  	_ =	shalt  }
0x82: {  	_ =	shalt  }
0x83: {  	_ =	shalt  }
0x84: {  	_ =	shalt  }
0x85: {  	_ =	shalt  }
0x86: {  	_ =	shalt  }
0x87: {  	_ =	shalt  }
.Lfunc_end0:
.L_simem_size_0:
called_computation.2_lowered:
.L_overlay_start_0:
0x88: {  	s0 =	sld [smem:$0x3FD9]  }
0x89: {  	s1 =	sld [smem:$0x3FFE];
	_ =	sdelay $0x3  }
0x8a: {  	s0 =	sadd.s32 s1, s0  }
0x8b: {  	[smem:$0x3FBD] =	sst s0  }
0x8c: {  	_ = 	snop  }
0x8d: {  	s0 =	sld [smem:$0x3FD0];
	_ =	sdelay $0x2  }
0x8e: {  	s13 =	simm.s32 $0xB;
	s2 =	simm.s32 $0x10  }
0x8f: {  	[smem:s2], [sflag:s13] =	dma.local [hbm:s0], $0x1  }
0x90: {  	_ =	swait.eq [sflag:s13], $0x1  }
0x91: {  	[sflag:s13] =	ssyncset.done $0x0  }
0x92: {  	[sflag:s13] =	ssyncadd.s32 $0xFFFFFFFF  }
0x93: {  	s14 =	sld [smem:$0x10];
	(tm) =	ssettm $0x1  }
0x94: {  	s15 =	sld [smem:$0x3FFB];
	_ =	sdelay $0x3  }
0x95: {  	_ =	strace s15  }
0x96: {  	s1 =	sld [smem:$0x3FFC];
	_ =	sdelay $0x3  }
0x97: {  	_ =	strace s1  }
0x98: {  	s1 =	sld [smem:$0x3FFD];
	_ =	sdelay $0x3  }
0x99: {  	_ =	strace s1  }
0x9a: {  	_ =	strace $0x8FFFFFFF  }
0x9b: {  	s16 =	sld [smem:$0x3FDB];
	_ =	sdelay $0x1  }
0x9c: {  	s17 =	simm.s32 $_scs_section_size  }
0x9d: {  	s3 =	simm.s32 $_size__tile_overlayer_lowered;
	s4 =	simm.s32 $_tile_overlayer_lowered  }
0x9e: {  	s20 =	simm.s32 $0x1BFF;
	s19 =	sshll.u32 s4, $0x1;
	s1 =	sadd.s32 s17, s16  }
0x9f: {  	s5 =	simm.s32 $0x0;
	s18 =	sshll.u32 s3, $0x1;
	s3 =	sadd.s32 s19, s1  }
0xa0: {  	[timem:s5], [sflag:s20] =	dma.local [hbm:s3], s18  }
0xa1: {  	_ =	swait.ge [sflag:s20], s18  }
0xa2: {  	s2 =	ssub.s32 $0x0, s18;
	[sflag:s20] =	ssyncset.done $0x0  }
0xa3: {  	[sflag:s20] =	ssyncadd.s32 s2;
	_ =	sdelay $0x1  }
0xa4: {  	s21 =	simm.s32 $0x1B8B  }
0xa5: {  	_ =	swait.ge [sflag:s21], $0x1  }
0xa6: {  	[sflag:s21] =	ssyncset.done $0x0  }
0xa7: {  	s23 =	simm.s32 $0x1B8E;
	s22 =	sld [smem:$0x3FFE];
	[sflag:s21] =	ssyncadd.s32 $0xFFFFFFFF  }
0xa8: {  	s24 =	simm.s32 $execute0_lowered;
	[smem:$0x3FD2] =	sst s23  }
0xa9: {  	s3 =	sshll.u32 s24, $0x1;
	_ =	strace $0x80000055;
	[dreg:$0x1] =	wrdreg $0xFFFFFFFF  }
0xaa: {  	s25 =	simm.s32 $_size_execute0_lowered;
	s1 =	sadd.s32 s1, s3;
	[dreg:$0x0] =	wrdreg $0x0  }
0xab: {  	s3 =	sshll.u32 s25, $0x1;
	[dreg:$0x2] =	wrdreg s1  }
0xac: {  	[dreg:$0x3] =	wrdreg s3  }
0xad: {  	[dreg:$0x4] =	wrdreg $0xC0  }
0xae: {  	_ =	task [dreg:s5], $0x5FFFF  }
0xaf: {  	[dreg:$0x1] =	wrdreg $0xFFFFFFFF  }
0xb0: {  	[dreg:$0x0] =	wrdreg $0x60  }
0xb1: {  	[dreg:$0x2] =	wrdreg s22  }
0xb2: {  	[dreg:$0x3] =	wrdreg s14  }
0xb3: {  	[dreg:$0x4] =	wrdreg $0x9  }
0xb4: {  	_ =	task.clear_ibuf [dreg:s5], $0x5FFFF;
	_ =	strace $0x90000055  }
0xb5: {  	s26 =	simm.s32 $0x9;
	_ =	strace $0x80000057  }
0xb6: {  	_ =	swait.ge [sflag:s26], $0x1  }
0xb7: {  	[sflag:s26] =	ssyncadd.s32 $0xFFFFFFFF  }
0xb8: {  	_ =	strace $0x90000057  }
0xb9: {  	_ =	sfence  }
0xba: {  	s28 =	sld [smem:$0x0];
	_ =	sdelay $0x1  }
0xbb: {  	s29 =	srdreg.scid  }
0xbc: {  	s30 =	sshll.u32 s29, $0xD;
	s31 =	sshrl.u32 s29, $0x2  }
0xbd: {  	s2 =	sand.u32 $0x4000, s30;
	s1 =	sand.u32 $0x1, s29;
	s0 =	sadd.s32 s31, s28  }
0xbe: {  	s1 =	sor.u32 s2, s1;
	s0 =	sshll.u32 s0, $0x11  }
0xbf: {  	s0 =	sor.u32 s0, s1  }
0xc0: {  	s0 =	sadd.s32 $0x8F2B, s0  }
0xc1: {  	[sflag:s0] =	ssyncadd.remote.s32 $0x1  }
0xc2: {  	_ =	sfence.sel $0xFFFF  }
0xc3: {  	[dreg:$0x0] =	wrdreg $0xFFFFFFFF;
	(pc) =	sbr.abs _section_cstart, $3  }
0xc4: {  	[dreg:$0x1] =	wrdreg $0xFFFFFFFF  }
0xc5: {  	_ =	task.clear_ibuf [dreg:s5], $0x2FFFF;
	_ =	strace $0x9FFFFFFF  }
0xc6: {  	(tm) =	ssettm $0x7FFFFFFF  }
0xc7: {  	_ =	shalt  }
tec
execute0_lowered:
.L_overlay_start_1:
0x0: {  	(tag) =	ssettag $0x1  }
0x1: {  	s0 =	rddreg [dreg:$0x0]  }
0x2: {  	s3 =	rddreg [dreg:$0x1];
	_ =	strace $0x80000056;
	s15 =	stileid.u32  }
0x3: {  	s2 =	simm.s32 $0x1;
	s1 =	smin.u32 s15, $0x8;
	s4 =	sshll.u32 s15, $0x1  }
0x4: {  	v1 =	vimm.s32 $0xFFFFFFFF;
	[sflag:s2] =	ssyncpa.u1 $0x0;
	s1 =	sadd.s32 s1, s4  }
0x5: {  	p0 =	slt.u32 s15, $0x8;
	[tilespmem:$0x10] =	vst v1;
	s5 =	smul.u32 $0x1F40, s1;
	s1 =	simm.s32 $0x5DC0  }
0x6: {  	v0 =	vimm.f32 $0.0e+00;
	[tilespmem:$0x20] =	vst v1;
	s1 =	simm.s32 @!p0 $0x3E80  }
0x7: {  	[tilespmem:$0x30] =	vst v0;
	s1 =	sadd.s32 s1, s5  }
0x8: {  	[tilespmem:$0x40] =	vst v0;
	s6 =	smin.u32 s1, $0x4E200  }
0x9: {  	s7 =	simm.s32 $0x2;
	[tilespmem:$0x50] =	vst v0;
	s9 =	ssub.s32 s6, s5  }
0xa: {  	s8 =	simm.s32 $0x8;
	s31 =	simm.s32 $0x9;
	[tilespmem:$0x60] =	vst v1;
	p0 =	sgt.s32 s9, $0x0  }
0xb: {  	s16 =	simm.s32 $0x0;
	s17 =	simm.s32 $0xF0;
	[tilespmem:$0x70] =	vst v1;
	s9 =	simm.s32 @!p0 $0x0  }
0xc: {  	s18 =	simm.s32 $0xFFFFFFFF;
	s19 =	simm.s32 $0xFFFFC280;
	[tilespmem:$0x80] =	vst v1;
	s30 =	smulhi.u32 $0x10624DD3, s9  }
0xd: {  	s20 =	simm.s32 $0xFFFFFFFE;
	s21 =	simm.s32 $0xF;
	s25 =	simm.s32 $0x0;
	v1 =	vimm.s32 $0x0;
	[tilespmem:$0xB0] =	vst v0  }
0xe: {  	s24 =	simm.s32 $0x0;
	s15 =	sshllo.u32 s15, $0x1;
	[tilespmem:$0x90] =	vst v1;
	s10 =	sshrl.u32 s30, $0x9  }
0xf: {  	[tilespmem:$0xA0] =	vst v1;
	[sflag:s7] =	ssyncpa.u1 $0x0;
	s7 =	simm.s32 $0x7;
	s11 =	smul.u32 $0x1F40, s10  }
.Ltmp0:
0x10: {  	s13 =	sor.u32 $0x80, s4;
	[sflag:s7] =	ssyncpa.u1 $0x0;
	(pc) =	sbr.rel .LBB2_1-.Ltmp0, $4  }
0x11: {  	s14 =	sor.u32 $0x81, s4;
	[sflag:s8] =	ssyncpa.u1 $0x0;
	p0 =	sne.s32 s9, s11  }
0x12: {  	s23 =	smov.u32 s5;
	s1 =	sadd.s32 $0x15200, s0;
	s2 =	simm.s32 @!p0 $0x0  }
0x13: {  	vm0 =	vmmov $0xffff;
	v2 =	vlaneseq.u32;
	[sflag:s31] =	ssyncpa.u1 $0x0;
	s9 =	sadd.s32 $0x1600, s0;
	s10 =	sadd.s32 s2, s10  }
0x14: {  	vm1 =	vmxor vm1, vm1;
	vm2 =	vmmov $0x1;
	vm3 =	vcmask $0x3F3C;
	p0 =	por $0x0, $0x0;
	s11 =	sadd.s32 $0x1, s10;
	s12 =	sadd.s32 $0x2, s10  }
.LBB2_9:
0x15: {  	p1 =	slt.u32 s24, $0x3  }
0x16: {  	s0 =	simm.s32 @!p1 $0x2  }
0x17: {  	_ =	swait.ge @!p1 [sflag:s0], $0x1F40  }
0x18: {  	[sflag:s0] =	ssyncset.done @!p1 $0x0  }
0x19: {  	[sflag:s0] =	ssyncadd.s32 @!p1 $0xFFFFE0C0;
	s0 =	simm.s32 @!p1 $0x9  }
0x1a: {  	_ =	swait.ge @!p1 [sflag:s0], $0x10  }
0x1b: {  	[sflag:s0] =	ssyncset.done @!p1 $0x0  }
0x1c: {  	[sflag:s0] =	ssyncadd.s32 @!p1 $0xFFFFFFF0;
	p1 =	sne.s32 s24, s12  }
.Ltmp1:
0x1d: {  	s2 =	sadd.s32 $0x1F40, s23;
	(pc) =	sbr.rel @!p1 .LBB2_10-.Ltmp1, $4  }
0x1e: {  	s22 =	smov.u32 s5;
	s31 =	sadd.s32 $0x1, s24;
	s17 =	sadd.s32 $0x1F40, s17  }
0x1f: {  	s18 =	sadd.s32 $0x1, s18;
	s25 =	smov.u32 s23;
	p2 =	slt.s32 s2, s6  }
0x20: {  	p0 =	por !p0, !p0;
	s19 =	sadd.s32 $0x1F40, s19;
	s22 =	smov.u32 @p2 s2  }
0x21: {  	s20 =	sadd.s32 $0x1, s20;
	s23 =	smov.u32 s22;
	s24 =	smov.u32 s31  }
.LBB2_1:
0x22: {  	p1 =	sge.u32 s24, s10  }
0x23: {  	s0 =	smulhi.u32 @!p1 $0xAAAAAAAB, s24;
	_ =	sdelay $0x1  }
0x24: {  	s0 =	sshrl.u32 @!p1 s0, $0x1  }
0x25: {  	s0 =	smul.u32 @!p1 $0x3, s0;
	_ =	sdelay $0x1  }
0x26: {  	s0 =	ssub.s32 @!p1 s24, s0  }
0x27: {  	s0 =	smul.u32 @!p1 $0x7D00, s0;
	_ =	sdelay $0x1  }
0x28: {  	s2 =	sshrl.u32 @!p1 s23, $0x3;
	s0 =	sshrl.u32 @!p1 s0, $0x2  }
0x29: {  	s22 =	sand.u32 @!p1 $0x7, s23;
	s2 =	sadd.s32 @!p1 s3, s2;
	s0 =	sadd.s32 @!p1 $0x100, s0  }
0x2a: {  	[tilespmem:s0], [sflag:$0x7] =	stream.linear.gather @!p1 [hbm4b:s2+s22], $0x1F40, $0x38;
	[tilespmem:$0x11A60] =	vst v63  }
0x2b: {  	s0 =	sadd.s32 $0xFFFFFFFF, s24  }
0x2c: {  	p1 =	sge.u32 s0, s10  }
.Ltmp2:
0x2d: {  	_ = 	snop;
	(pc) =	sbr.rel @p1 .LBB2_5-.Ltmp2, $1  }
0x2e: {  	_ =	sdelay $0x3  }
0x2f: {  	s2 =	smulhi.u32 $0xAAAAAAAB, s0;
	_ =	sdelay $0x1  }
0x30: {  	s2 =	sshrl.u32 s2, $0x1  }
0x31: {  	s2 =	smul.u32 $0x3, s2;
	_ =	sdelay $0x1  }
0x32: {  	s2 =	ssub.s32 s0, s2  }
0x33: {  	s2 =	smul.u32 $0x7D00, s2  }
0x34: {  	_ =	swait.ge [sflag:s7], $0x1F40  }
0x35: {  	[sflag:s7] =	ssyncset.done $0x0;
	s2 =	sshrl.u32 s2, $0x2  }
0x36: {  	[sflag:s7] =	ssyncadd.s32 $0xFFFFE0C0;
	(ifvalue) =	ssetifvalue $0xFFFFFFFF;
	v3 =	vld.msk [tilespmem:s2+$0x100 ss:$0x1], $0xffff;
	_ =	sdelay $0x2  }
0x37: {  	s30 =	smulhi.u32 $0xAAAAAAAB, s18;
	p1 =	sne.s32 s24, $0x1  }
0x38: {  	v4 =	vimm.s32 @!p1 $0x0  }
0x39: {  	s2 =	sshrl.u32 s30, $0x1;
	v4 =	vperm.xlane @!p1 v3, v4  }
0x3a: {  	s22 =	sshll.u32 s24, $0x4;
	s2 =	smul.u32 $0xFFFE8900, s2;
	vm4 =	vlt.u32 v3, $0x2800  }
0x3b: {  	s22 =	sand.u32 $0x10, s22;
	v3 =	vnsel vm4, $0xFFFFFFFE, v3;
	vm4 =	vlt.u32 @!p1 v4, $0x2800  }
0x3c: {  	s2 =	sshra.s32 s2, $0x2;
	[tilespmem:s22+$0x60] =	vst v3;
	v3 =	vnsel @!p1 vm4, $0xFFFFFFFE, v4  }
0x3d: {  	s28 =	sadd.s32 s2, s17;
	[tilespmem:$0x80] =	vst @!p1 v3  }
0x3e: {  	v3 =	vld.msk [tilespmem:s28+$0x0 ss:$0x1], $0xffff;
	_ =	sdelay $0x4  }
0x3f: {  	(xrf1) =	vunique.msk.u32 $0xffff, v3;
	_ =	sdelay $0xd  }
0x40: {  	v4 =	vimm.s32 $0xFFFFFFFF;
	v5, _, _ =	vpop (xrf1)  }
0x41: {  	vm5 =	vne.s32 v3, v4;
	vm4 =	veq.s32 v5, v2  }
0x42: {  	vm6 =	vlt.u32 v3, $0x2800;
	vm4 =	vmand vm5, vm4  }
0x43: {  	vm4 =	vmand vm6, vm4  }
0x44: {  	v4 =	vnsel vm4, $0xFFFFFFFF, v3  }
0x45: {  	s31 =	sand.u32 $0x1, s0  }
0x46: {  	s0 =	simm.s32 $0x1F40;
	p1 =	seq.s32 s31, $0x1  }
0x47: {  	s0 =	simm.s32 @!p1 $0x0  }
0x48: {  	s26 =	sadd.s32 $0x7DF0, s0;
	(ifvalue) =	ssetifvalue $0xFFFFFFFF  }
0x49: {  	v3 =	vperm.xlane v3, v1;
	[tilespmem:s26], [sflag:$0x8] =	stream.indirect_vreg.gather [hbm4b:s1+s16], $0x1, v4, vm0, $0x4038;
	v4 =	vnsel vm6, $0xFFFFFFFE, v4;
	[tilespmem:$0x11A60] =	vst v63  }
0x4a: {  	s2 =	simm.s32 $0x0;
	s22 =	sadd.s32 $0xFFFFFFF0, s28;
	[tilespmem:s28+$0x0] =	vst v4  }
.LBB2_3:
0x4b: {  	v4 =	vld.msk [tilespmem:s22+$0x0 ss:$0x1], $0xffff;
	s2 =	sadd.s32 $0x10, s2;
	v5 =	vmov v3;
	s28 =	smov.u32 s22  }
0x4c: {  	p1 =	slt.u32 s2, $0x1F30;
	_ =	sdelay $0x4  }
0x4d: {  	v3 =	vperm.xlane v4, v1;
	(xrf1) =	vunique.msk.u32 $0xffff, v4;
	_ =	sdelay $0xd  }
0x4e: {  	v6, _, _ =	vpop (xrf1)  }
0x4f: {  	vm5 =	vne.s32 v4, v5;
	vm4 =	veq.s32 v6, v2  }
0x50: {  	vm6 =	vlt.u32 v4, $0x2800;
	vm4 =	vmand vm5, vm4  }
0x51: {  	vm4 =	vmand vm6, vm4  }
0x52: {  	v4 =	vnsel vm4, $0xFFFFFFFF, v4  }
.Ltmp3:
0x53: {  	v5 =	vnsel vm6, $0xFFFFFFFE, v4;
	(pc) =	sbr.rel @p1 .LBB2_3-.Ltmp3, $3  }
0x54: {  	_ =	sdelay $0x1  }
0x55: {  	s22 =	sadd.s32 $0xFFFFFFF0, s22;
	s26 =	sadd.s32 $0xFFFFFFF0, s26;
	(ifvalue) =	ssetifvalue $0xFFFFFFFF  }
0x56: {  	[tilespmem:s26], [sflag:$0x8] =	stream.indirect_vreg.gather [hbm4b:s1+s16], $0x1, v4, vm0, $0x4038;
	[tilespmem:s28+$0x0] =	vst v5  }
0x57: {  	s2 =	sshrl.u32 s25, $0x3  }
0x58: {  	s0 =	sadd.s32 $0x9D40, s0;
	s2 =	sadd.s32 s9, s2  }
0x59: {  	[tilespmem:s0], [sflag:$0x8] =	stream.linear.gather [hbm:s2], $0x1F40, $0x38;
	[tilespmem:$0x11A60] =	vst v63  }
.LBB2_5:
0x5a: {  	p1 =	slt.u32 s24, $0x2  }
0x5b: {  	p2 =	sge.u32 @!p1 s24, s12  }
0x5c: {  	p1 =	por p1, p2  }
.Ltmp4:
0x5d: {  	_ = 	snop;
	(pc) =	sbr.rel @p1 .LBB2_9-.Ltmp4, $1  }
0x5e: {  	_ =	sdelay $0x3  }
0x5f: {  	s0 =	sadd.s32 $0xFFFFFFFE, s24  }
0x60: {  	s2 =	smulhi.u32 $0xAAAAAAAB, s0;
	_ =	sdelay $0x1  }
0x61: {  	s2 =	sshrl.u32 s2, $0x1  }
0x62: {  	s2 =	smul.u32 $0x3, s2;
	_ =	sdelay $0x1  }
0x63: {  	s0 =	ssub.s32 s0, s2  }
0x64: {  	_ =	swait.ge [sflag:s8], $0x3E80;
	s0 =	smul.u32 $0x1F40, s0  }
0x65: {  	p1 =	sne.s32 s24, s11;
	[sflag:s8] =	ssyncset.done $0x0  }
0x66: {  	[sflag:s8] =	ssyncadd.s32 $0xFFFFC180;
	s2 =	sadd.s32 @!p1 $0x203F, s0  }
0x67: {  	[spmem:s14] =	stream.linear.scatter @!p1 [tilespmem:s2], [sflag:$0x1], $0x1, $0x38;
	[tilespmem:$0x11A60] =	vst v63  }
0x68: {  	s2 =	simm.s32 @!p1 $0x1  }
0x69: {  	_ =	swait.ge @!p1 [sflag:s2], $0x1  }
0x6a: {  	s22 =	sshll.u32 s24, $0x4;
	[sflag:s2] =	ssyncset.done @!p1 $0x0  }
0x6b: {  	s25 =	sand.u32 $0x10, s22;
	[sflag:s2] =	ssyncadd.s32 @!p1 $0xFFFFFFFF  }
0x6c: {  	s2 =	sxor.u32 $0x10, s25;
	v4 =	vld [tilespmem:s25+$0x10]  }
0x6d: {  	v5 =	vld [tilespmem:s2+$0x60]  }
0x6e: {  	v3 =	vld [tilespmem:$0x80];
	_ =	sdelay $0x2  }
0x6f: {  	(v2sf) =	vpush v4, $0x0  }
0x70: {  	(v2sf) =	vpush v5, $0x0  }
0x71: {  	(v2sf) =	vpush v3, $0x0;
	_ =	sdelay $0xc  }
0x72: {  	s22 =	spop (v2sf)  }
0x73: {  	s26 =	spop (v2sf)  }
0x74: {  	s28 =	spop (v2sf)  }
0x75: {  	p2 =	seq.s32 s22, s26;
	p3 =	seq.s32 s28, s22  }
0x76: {  	p3 =	por p2, p3  }
0x77: {  	s26 =	sand.u32 $0x1, s24;
	v4 =	vpsel p3, $0xFFFFFFFF, v4  }
0x78: {  	s29 =	smul.u32 $0x1F40, s26;
	[tilespmem:s25+$0x10] =	vst.msk $0x1, v4  }
0x79: {  	v4 =	vld [tilespmem:$0x30]  }
0x7a: {  	v5 =	vld [tilespmem:s29+$0x9D40]  }
0x7b: {  	v6 =	vld [tilespmem:s25+$0x40];
	_ =	sdelay $0x3  }
0x7c: {  	vm4 =	vmmov vm1;
	v5 =	vadd.f32 v5, v4  }
0x7d: {  	vm5 =	vmmov vm2;
	vm4 =	vmmov @p2 vm2;
	s22 =	sshll.u32 s26, $0x4;
	v4 =	vadd.f32 v6, v4  }
0x7e: {  	s26 =	sor.u32 $0x11A40, s22;
	vm5 =	vmmov @p3 vm1;
	[tilespmem:s29+$0x9D40] =	vst.msk vm4, v5  }
0x7f: {  	[tilespmem:s26+$0x0] =	vst.msk vm5, v4  }
0x80: {  	v4 =	vld [tilespmem:s29+$0x7DF0];
	_ =	sdelay $0x3  }
0x81: {  	v5 =	vimm.f32 $0.0e+00  }
0x82: {  	v4 =	vshift.insert v4, v5, s21  }
0x83: {  	s22 =	sor.u32 $0x40, s2  }
0x84: {  	[tilespmem:s22+$0x0] =	vst.msk $0x1, v4  }
0x85: {  	[tilespmem:s29+$0x7DFF] =	vst.msk $0x1, v5  }
0x86: {  	v4 =	vld [tilespmem:s0+$0x2030];
	_ =	sdelay $0x1  }
0x87: {  	s22 =	smulhi.u32 $0xAAAAAAAB, s20;
	s0 =	simm.s32 $0x1  }
0x88: {  	s0 =	simm.s32 @!p0 $0x0  }
0x89: {  	s22 =	sshrl.u32 s22, $0x1;
	s0 =	smul.u32 $0x7D00, s0  }
0x8a: {  	s22 =	smul.u32 $0xFFFE8900, s22;
	v4 =	vshift.insert v4, v1, s21  }
0x8b: {  	s0 =	sshrl.u32 s0, $0x2  }
0x8c: {  	s22 =	sshra.s32 s22, $0x2;
	s30 =	sadd.s32 $0x9D40, s0;
	[tilespmem:s2+$0x10] =	vst.msk $0x1, v4  }
0x8d: {  	s22 =	sadd.s32 s22, s19;
	v6 =	vld [tilespmem:s30+$0x0]  }
0x8e: {  	v7 =	vld [tilespmem:s22+$0x0];
	_ =	sdelay $0x3  }
0x8f: {  	v5 =	vadd.f32 v6, v5  }
0x90: {  	vm4 =	vne.s32 v7, $0xFFFFFFFF  }
0x91: {  	(xrf2) =	vadd.seg.scan.f32 vm4, v5;
	_ =	sdelay $0x3  }
0x92: {  	s31 =	sadd.s32 $0x5EC0, s0;
	v5 =	vperm.xlane v4, v1  }
0x93: {  	v6 =	vld [tilespmem:s31+$0x0]  }
0x94: {  	vm5 =	veq.s32 v7, v3;
	vm6 =	veq.s32 v7, v5  }
0x95: {  	vm7 =	vgt.u32 v7, $0xFFFFFFFD;
	vm6 =	vmor vm6, vm5  }
0x96: {  	vm6 =	vmor vm6, vm7  }
0x97: {  	v9 =	vld [tilespmem:$0xA0];
	v7 =	vsel vm6, $0xFFFFFFFF, v7  }
0x98: {  	v10 =	vld [tilespmem:$0x90];
	v6 =	vsel vm5, $0x0, v6;
	v8, _, _ =	vpop (xrf2)  }
0x99: {  	v6 =	vadd.f32 v8, v6  }
0x9a: {  	s0 =	sadd.s32 $0xDBC0, s0  }
0x9b: {  	vm4 =	vmand vm4, vm3;
	[tilespmem:s0+$0x0] =	vst v6;
	(ifvalue) =	ssetifvalue $0xFFFFFFFF  }
0x9c: {  	vm6 =	veq.s32 v9, $0x1;
	[hbm4b:s1+s16] =	stream.indirect_vreg.scatter [tilespmem:s0], [sflag:$0x2], $0x1, v7, vm0, $0x4038;
	v7 =	vsel vm4, $0x0, v8;
	[tilespmem:$0x11A60] =	vst v63  }
0x9d: {  	s2 =	simm.s32 $0x0;
	s22 =	sadd.s32 $0x10, s22;
	vm4 =	vmor vm6, vm5;
	v6 =	vsel vm5, v8, v10;
	v7 =	vshift.insert v7, v0, s21  }
.LBB2_7:
0x9e: {  	v8 =	vld [tilespmem:s22+$0x0];
	s30 =	sadd.s32 $0x10, s30  }
0x9f: {  	s31 =	sadd.s32 $0x10, s31;
	v9 =	vld [tilespmem:s30+$0x0]  }
0xa0: {  	s2 =	sadd.s32 $0x10, s2;
	v10 =	vld [tilespmem:s31+$0x0]  }
0xa1: {  	p2 =	slt.u32 s2, $0x1F30;
	_ =	sdelay $0x2  }
0xa2: {  	v7 =	vadd.f32 v9, v7  }
0xa3: {  	vm5 =	vne.s32 v8, $0xFFFFFFFF  }
0xa4: {  	vm6 =	vmand vm5, vm3;
	(xrf2) =	vadd.seg.scan.f32 vm5, v7;
	_ =	sdelay $0x5  }
0xa5: {  	vm7 =	veq.s32 v8, v5;
	vm5 =	veq.s32 v8, v3  }
0xa6: {  	vm8 =	vgt.u32 v8, $0xFFFFFFFD;
	vm4 =	vmor vm4, vm5;
	vm7 =	vmor vm7, vm5  }
0xa7: {  	vm7 =	vmor vm7, vm8  }
0xa8: {  	v8 =	vsel vm7, $0xFFFFFFFF, v8  }
.Ltmp5:
0xa9: {  	v7 =	vsel vm5, $0x0, v10;
	v9, _, _ =	vpop (xrf2);
	(pc) =	sbr.rel @p2 .LBB2_7-.Ltmp5, $4  }
0xaa: {  	v6 =	vsel vm5, v9, v6;
	v10 =	vadd.f32 v9, v7;
	v7 =	vsel vm6, $0x0, v9  }
0xab: {  	s0 =	sadd.s32 $0x10, s0;
	v7 =	vshift.insert v7, v0, s21  }
0xac: {  	s22 =	sadd.s32 $0x10, s22;
	[tilespmem:s0+$0x0] =	vst v10;
	(ifvalue) =	ssetifvalue $0xFFFFFFFF  }
0xad: {  	[hbm4b:s1+s16] =	stream.indirect_vreg.scatter [tilespmem:s0], [sflag:$0x2], $0x1, v8, vm0, $0x4038;
	[tilespmem:$0x11A60] =	vst v63  }
0xae: {  	v3 =	vld [tilespmem:s29+$0xFAF0];
	_ =	sdelay $0x4  }
0xaf: {  	v3 =	vshift.insert v3, v0, s21  }
0xb0: {  	s0 =	simm.s32 $0x30  }
0xb1: {  	[tilespmem:s0+$0x0] =	vst.msk $0x1, v3  }
0xb2: {  	v3 =	vsel vm4, $0x1, v1;
	[tilespmem:$0x90] =	vst v6  }
0xb3: {  	s0 =	sadd.s32 @!p1 $0xFAFF, s29;
	[tilespmem:$0xA0] =	vst v3  }
0xb4: {  	[spmem:s15] =	stream.linear.scatter @!p1 [tilespmem:s0], [sflag:$0x1], $0x1, $0x38;
	[tilespmem:$0x11A60] =	vst v63  }
0xb5: {  	s0 =	simm.s32 @!p1 $0x1  }
0xb6: {  	v3 =	vmctz.xlane @!p1 vm4;
	_ =	swait.ge @!p1 [sflag:s0], $0x1  }
0xb7: {  	(v2sf) =	vpush @!p1 v4, $0x0  }
0xb8: {  	(v2sf) =	vpush @!p1 v3, $0x0;
	_ =	sdelay $0xd  }
0xb9: {  	s2 =	spop @!p1 (v2sf)  }
0xba: {  	s22 =	spop @!p1 (v2sf)  }
0xbb: {  	p2 =	sne.s32 @!p1 s28, s2;
	p3 =	slt.s32 @!p1 s22, $0xF  }
0xbc: {  	[sflag:s0] =	ssyncset.done @!p1 $0x0;
	p2 =	por p2, p1;
	p3 =	por !p3, p1  }
0xbd: {  	[sflag:s0] =	ssyncadd.s32 @!p1 $0xFFFFFFFF;
	v3 =	vimm.s32 @!p2 $0xFFFFFFFF;
	s22 =	simm.s32 @p3 $0xF  }
0xbe: {  	[tilespmem:$0x80] =	vst @!p2 v3;
	s2 =	sadd.s32 @!p1 $0x90, s22  }
0xbf: {  	[spmem:s4] =	stream.linear.scatter @!p1 [tilespmem:s2], [sflag:$0x1], $0x1, $0x38;
	[tilespmem:$0x11A60] =	vst v63  }
0xc0: {  	_ =	swait.ge @!p1 [sflag:s0], $0x1  }
0xc1: {  	[sflag:s0] =	ssyncset.done @!p1 $0x0  }
0xc2: {  	s2 =	simm.s32 @!p1 $0x80;
	[sflag:s0] =	ssyncadd.s32 @!p1 $0xFFFFFFFF  }
0xc3: {  	[spmem:s13] =	stream.linear.scatter @!p1 [tilespmem:s2], [sflag:$0x1], $0x1, $0x38;
	[tilespmem:$0x11A60] =	vst v63  }
0xc4: {  	_ =	swait.ge @!p1 [sflag:s0], $0x1  }
0xc5: {  	[sflag:s0] =	ssyncset.done @!p1 $0x0  }
0xc6: {  	[sflag:s0] =	ssyncadd.s32 @!p1 $0xFFFFFFFF;
	(ifvalue) =	ssetifvalue $0xFFFFFFFF;
	v3 =	vld [tilespmem:s25+$0x10];
	_ =	sdelay $0x3  }
.Ltmp6:
0xc7: {  	_ = 	snop;
	(pc) =	sbr.rel .LBB2_9-.Ltmp6, $3  }
0xc8: {  	_ =	sdelay $0x1  }
0xc9: {  	(ifvalue) =	ssetifvalue $0xFFFFFFFF  }
0xca: {  	[hbm4b:s1+s16] =	stream.indirect_vreg.scatter [tilespmem:s26], [sflag:$0x9], $0x1, v3, vm0, $0x4038;
	[tilespmem:$0x11A60] =	vst v63  }
.LBB2_10:
0xcb: {  	_ =	sfence.sel $0x180000  }
0xcc: {  	s0 =	simm.s32 $0x7;
	[bflag:$0x0] =	sbarrier.arrive $0xFFFF  }
0xcd: {  	s26 =	simm.s32 $0x8;
	[sflag:s0] =	ssyncpa.u1 $0x1  }
0xce: {  	s28 =	simm.s32 $0x9;
	[sflag:s26] =	ssyncpa.u1 $0x1  }
0xcf: {  	[sflag:s28] =	ssyncpa.u1 $0x1  }
0xd0: {  	_ =	sfence.stream.spmem  }
0xd1: {  	s29 =	simm.s32 $0x3;
	[bflag:$0x0] =	sbarrier.arrive $0xFFFF  }
0xd2: {  	s30 =	simm.s32 $0x4;
	[sflag:s29] =	ssyncpa.u1 $0x1  }
0xd3: {  	s31 =	simm.s32 $0x3C;
	s2 =	stileid.u32;
	[sflag:s30] =	ssyncpa.u1 $0x1  }
0xd4: {  	p0 =	sne.s32 s2, $0x0;
	[sflag:s31] =	ssyncpa.u1 $0x1  }
0xd5: {  	s0 =	simm.s32 @p0 $0x1;
	_ =	sfence @p0  }
0xd6: {  	[sflag:s0] =	ssyncpa.u1 @p0 $0x1;
	s0 =	simm.s32 @p0 $0x2  }
0xd7: {  	[sflag:s0] =	ssyncpa.u1 @p0 $0x1  }
0xd8: {  	_ =	strace @p0 $0x90000056  }
0xd9: {  	[bflag:$0x2] =	sbarrier.arrive @p0 $0xFFFF  }
0xda: {  	_ =	shalt @p0  }
.LBB2_11:
0xdb: {  	_ =	sfence.stream.spmem;
	s0 =	simm.s32 $0x5  }
0xdc: {  	s2 =	simm.s32 $0x80;
	s3 =	simm.s32 $0xC0;
	[sflag:s0] =	ssyncpa.u1 $0x0  }
0xdd: {  	[tilespmem:s3], [sflag:$0x5] =	stream.linear.gather [spmem:s2], $0x20, $0x38;
	[tilespmem:$0x11A60] =	vst v63  }
0xde: {  	s2 =	simm.s32 $0x0;
	s3 =	simm.s32 $0xE0  }
0xdf: {  	[tilespmem:s3], [sflag:$0x5] =	stream.linear.gather [spmem:s2], $0x20, $0x38;
	[tilespmem:$0x11A60] =	vst v63  }
.Ltmp7:
0xe0: {  	_ = 	snop;
	(pc) =	sbr.rel .LBB2_12-.Ltmp7, $4  }
0xe1: {  	_ =	swait.ge [sflag:s0], $0x40  }
0xe2: {  	[sflag:s0] =	ssyncset.done $0x0  }
0xe3: {  	s31 =	simm.s32 $0x6;
	[sflag:s0] =	ssyncadd.s32 $0xFFFFFFC0  }
0xe4: {  	s4 =	simm.s32 $0x0;
	[sflag:s31] =	ssyncpa.u1 $0x0  }
.LBB2_17:
0xe5: {  	p0 =	sgt.u32 s5, $0x27FF  }
0xe6: {  	s0 =	sshrl.u32 @!p0 s5, $0x3  }
0xe7: {  	s5 =	sand.u32 @!p0 $0x7, s5;
	s6 =	simm.s32 @!p0 $0xB0;
	s0 =	sadd.s32 @!p0 s1, s0  }
0xe8: {  	[tilespmem:s6], [sflag:$0x6] =	stream.linear.gather @!p0 [hbm4b:s0+s5], $0x1, $0x38;
	[tilespmem:$0x11A60] =	vst v63  }
0xe9: {  	s0 =	simm.s32 @!p0 $0x6  }
0xea: {  	_ =	swait.ge @!p0 [sflag:s0], $0x1  }
0xeb: {  	[sflag:s0] =	ssyncset.done @!p0 $0x0  }
0xec: {  	[sflag:s0] =	ssyncadd.s32 @!p0 $0xFFFFFFFF  }
0xed: {  	v2 =	vmov @!p0 s4;
	v1 =	vld.msk @!p0 [tilespmem:$0xB0], $0x1;
	_ =	sdelay $0x3  }
0xee: {  	s0 =	simm.s32 @!p0 $0xE0  }
0xef: {  	[tilespmem:v2+s0+$0x0], v1 =	vst.idx.ret.add.f32.msk @!p0 $0x1, v1  }
0xf0: {  	[tilespmem:s2+$0xC0] =	vst.msk $0x1, v0  }
0xf1: {  	v0 =	vld.msk [tilespmem:s4+$0xE0], $0x1;
	_ =	sdelay $0x4  }
0xf2: {  	[tilespmem:s2+$0xE0] =	vst.msk $0x1, v0;
	s2 =	sadd.s32 $0x1, s2  }
.LBB2_19:
0xf3: {  	s4 =	sadd.s32 $0x1, s4  }
0xf4: {  	p0 =	sne.s32 s4, $0x20  }
.Ltmp8:
0xf5: {  	_ = 	snop;
	(pc) =	sbr.rel @!p0 .LBB2_20-.Ltmp8, $1  }
0xf6: {  	_ =	sdelay $0x3  }
.LBB2_12:
0xf7: {  	v0 =	vld.msk [tilespmem:s4+$0xC0], $0x1;
	_ =	sdelay $0x4  }
0xf8: {  	(v2sf) =	vpush v0, $0x0;
	_ =	sdelay $0xe  }
0xf9: {  	s5 =	spop (v2sf)  }
0xfa: {  	p0 =	seq.s32 s5, $0xFFFFFFFF  }
.Ltmp9:
0xfb: {  	_ = 	snop;
	(pc) =	sbr.rel @p0 .LBB2_19-.Ltmp9, $1  }
0xfc: {  	_ =	sdelay $0x3  }
0xfd: {  	p0 =	slt.s32 s2, $0x1  }
.Ltmp10:
0xfe: {  	_ = 	snop;
	(pc) =	sbr.rel @p0 .LBB2_17-.Ltmp10, $1  }
0xff: {  	_ =	sdelay $0x3  }
0x100: {  	s0 =	simm.s32 $0xC0;
	p0 =	por $0x0, $0x0  }
0x101: {  	v1 =	vld.msk @!p0 [tilespmem:s0+$0x0], $0x1;
	_ =	sdelay $0x4  }
0x102: {  	(v2sf) =	vpush @!p0 v1, $0x0;
	_ =	sdelay $0xd  }
0x103: {  	p2 =	sne.s32 s2, $0x1  }
.Ltmp11:
0x104: {  	s6 =	spop @!p0 (v2sf);
	(pc) =	sbr.rel @!p2 .LBB2_16-.Ltmp11, $4  }
0x105: {  	p1 =	seq.s32 @!p0 s5, s6  }
0x106: {  	s6 =	simm.s32 $0x0;
	p1 =	por !p1, p0  }
0x107: {  	s8 =	simm.s32 $0xFFFFFFFF;
	s6 =	simm.s32 @p1 $0xFFFFFFFF  }
0x108: {  	s7 =	simm.s32 $0x1;
	s6 =	smov.u32 @p0 s8  }
.LBB2_15:
0x109: {  	s8 =	smov.u32 s6;
	p0 =	sne.s32 s6, $0xFFFFFFFF  }
0x10a: {  	s0 =	sadd.s32 $0x1, s0;
	s6 =	smov.u32 s7;
	s7 =	sadd.s32 $0x1, s7  }
0x10b: {  	p1 =	sne.s32 s2, s7;
	v1 =	vld.msk @!p0 [tilespmem:s0+$0x0], $0x1;
	_ =	sdelay $0x4  }
0x10c: {  	(v2sf) =	vpush @!p0 v1, $0x0;
	_ =	sdelay $0xe  }
.Ltmp12:
0x10d: {  	s9 =	spop @!p0 (v2sf);
	(pc) =	sbr.rel @p1 .LBB2_15-.Ltmp12, $4  }
0x10e: {  	p2 =	seq.s32 @!p0 s5, s9  }
0x10f: {  	p2 =	por !p2, p0  }
0x110: {  	s6 =	simm.s32 @p2 $0xFFFFFFFF  }
0x111: {  	s6 =	smov.u32 @p0 s8  }
.LBB2_16:
0x112: {  	p0 =	sne.s32 s6, $0xFFFFFFFF  }
.Ltmp13:
0x113: {  	_ = 	snop;
	(pc) =	sbr.rel @!p0 .LBB2_17-.Ltmp13, $1  }
0x114: {  	_ =	sdelay $0x3  }
0x115: {  	v0 =	vld.msk [tilespmem:s4+$0xE0], $0x1;
	v1 =	vmov s6  }
.Ltmp14:
0x116: {  	_ = 	snop;
	(pc) =	sbr.rel .LBB2_19-.Ltmp14, $2  }
0x117: {  	_ =	sdelay $0x2  }
0x118: {  	[tilespmem:v1+s3+$0x0], v0 =	vst.idx.ret.add.f32.msk $0x1, v0  }
.LBB2_20:
0x119: {  	p0 =	slt.s32 s2, $0x1  }
.Ltmp15:
0x11a: {  	_ = 	snop;
	(pc) =	sbr.rel @p0 .LBB2_24-.Ltmp15, $3  }
0x11b: {  	_ =	sdelay $0x1  }
0x11c: {  	s0 =	simm.s32 $0x6  }
0x11d: {  	s3 =	simm.s32 $0x0;
	[sflag:s0] =	ssyncpa.u1 $0x1  }
0x11e: {  	s0 =	simm.s32 $0xC0  }
0x11f: {  	v0 =	vld.msk [tilespmem:s0+$0x0], $0x1;
	_ =	sdelay $0x4  }
0x120: {  	(v2sf) =	vpush v0, $0x0;
	_ =	sdelay $0xe  }
0x121: {  	s2 =	sadd.s32 $0xFFFFFFFF, s2;
	s4 =	spop (v2sf)  }
0x122: {  	p1 =	sne.s32 s2, $0x0;
	p0 =	sgt.u32 s4, $0x27FF  }
.Ltmp16:
0x123: {  	s5 =	sshrl.u32 @!p0 s4, $0x3;
	(pc) =	sbr.rel @!p1 .LBB2_23-.Ltmp16, $4  }
0x124: {  	s0 =	simm.s32 $0xE0;
	s4 =	sand.u32 @!p0 $0x7, s4;
	s5 =	sadd.s32 @!p0 s1, s5  }
0x125: {  	[hbm4b:s5+s4] =	stream.linear.scatter @!p0 [tilespmem:s0], [sflag:$0x5], $0x1, $0x38;
	[tilespmem:$0x11A60] =	vst v63  }
0x126: {  	s5 =	simm.s32 $0x0  }
0x127: {  	s4 =	simm.s32 $0xC1;
	s5 =	simm.s32 @!p0 $0x4  }
.LBB2_22:
0x128: {  	v0 =	vld.msk [tilespmem:s4+$0x0], $0x1;
	s2 =	sadd.s32 $0xFFFFFFFF, s2;
	s3 =	sadd.s32 s3, s5  }
0x129: {  	p0 =	sne.s32 s2, $0x0;
	_ =	sdelay $0x3  }
0x12a: {  	(v2sf) =	vpush v0, $0x0;
	_ =	sdelay $0xe  }
.Ltmp17:
0x12b: {  	s6 =	spop (v2sf);
	(pc) =	sbr.rel @p0 .LBB2_22-.Ltmp17, $4  }
0x12c: {  	s5 =	simm.s32 $0x0;
	p1 =	sgt.u32 s6, $0x27FF  }
0x12d: {  	s0 =	sadd.s32 $0x1, s0;
	s5 =	simm.s32 @!p1 $0x4;
	s7 =	sshrl.u32 @!p1 s6, $0x3  }
0x12e: {  	s4 =	sadd.s32 $0x1, s4;
	s6 =	sand.u32 @!p1 $0x7, s6;
	s7 =	sadd.s32 @!p1 s1, s7  }
0x12f: {  	[hbm4b:s7+s6] =	stream.linear.scatter @!p1 [tilespmem:s0], [sflag:$0x5], $0x1, $0x38;
	[tilespmem:$0x11A60] =	vst v63  }
.LBB2_23:
0x130: {  	s0 =	sadd.s32 s3, s5  }
0x131: {  	s3 =	sshrl.u32 s0, $0x2  }
.LBB2_24:
0x132: {  	s0 =	simm.s32 $0x5  }
0x133: {  	_ =	swait.ge [sflag:s0], s3  }
0x134: {  	s1 =	ssub.s32 $0x0, s3;
	[sflag:s0] =	ssyncset.done $0x0  }
0x135: {  	[sflag:s0] =	ssyncadd.s32 s1  }
0x136: {  	[sflag:s0] =	ssyncpa.u1 $0x1  }
0x137: {  	s29 =	simm.s32 $0x1;
	_ =	sfence  }
0x138: {  	s30 =	simm.s32 $0x2;
	[sflag:s29] =	ssyncpa.u1 $0x1  }
0x139: {  	[sflag:s30] =	ssyncpa.u1 $0x1  }
0x13a: {  	_ =	strace $0x90000056  }
0x13b: {  	[bflag:$0x2] =	sbarrier.arrive $0xFFFF  }
0x13c: {  	s31 =	rddreg [dreg:$0x2]  }
0x13d: {  	s0 =	sadd.s32 $0x100000, s31  }
0x13e: {  	[sflag:s0] =	ssyncadd.tile.s32 $0x1;
	_ =	shalt  }
.Lfunc_end2:
_tile_overlayer_lowered:
.L_overlay_start_2:
0x13f: {  	(tag) =	ssettag $0x2  }
0x140: {  	s0 =	rddreg [dreg:$0x0];
	s2 =	stileid.u32  }
0x141: {  	s1 =	rddreg [dreg:$0x1];
	p0 =	sne.s32 s2, $0x0  }
0x142: {  	s3 =	rddreg [dreg:$0x2];
	[bflag:$0x3] =	sbarrier.arrive $0xFFFF;
	s2 =	simm.s32 @!p0 $0x1C01  }
0x143: {  	[timem:s3], [sflag:s2] =	dma.local @!p0 [hbm:s0], s1  }
0x144: {  	s0 =	simm.s32 @!p0 $0x1  }
0x145: {  	_ =	swait.ge @!p0 [sflag:s0], s1  }
0x146: {  	s1 =	ssub.s32 @!p0 $0x0, s1;
	[sflag:s0] =	ssyncset.done @!p0 $0x0  }
0x147: {  	[sflag:s0] =	ssyncadd.s32 @!p0 s1  }
0x148: {  	[bflag:$0x3] =	sbarrier.arrive $0xFFFF  }
0x149: {  	_ =	shalt  }

// kernel: scatter_offload_async_start
scs
__scs_entry_jumppad:
0x0: {  	(pc) =	sbr.rel $0x88, $3  }
0x1: {  	(tag) =	ssettag $0x0;
	lr =	simm.s32 $0x1  }
0x2: {  	[smem:$0x3F96] =	sst lr;
	_ =	strace $0xD0000000  }
0x3: {  	_ = 	snop  }
0x4: {  	_ = 	snop  }
0x5: {  	_ = 	snop  }
0x6: {  	_ = 	snop  }
0x7: {  	_ = 	snop  }
__scs_overlays_trampoline_lowered:
0x8: {  	[smem:$0x3FA5] =	sst s0  }
0x9: {  	[smem:$0x3FA6] =	sst s1  }
0xa: {  	[smem:$0x3FA7] =	sst s2  }
0xb: {  	[smem:$0x3FA8] =	sst s3  }
0xc: {  	[smem:$0x3FA9] =	sst s4  }
0xd: {  	[smem:$0x3FAA] =	sst s5  }
0xe: {  	[smem:$0x3FAB] =	sst s6  }
0xf: {  	[smem:$0x3FAC] =	sst s7  }
0x10: {  	[smem:$0x3FAD] =	sst s8  }
0x11: {  	[smem:$0x3FAE] =	sst s9;
	s0 =	simm.s32 @!p0 $0x0  }
0x12: {  	s1 =	sld [smem:$0x3F94];
	s0 =	simm.s32 @p0 $0x1  }
0x13: {  	[smem:$0x3FAF] =	sst s0;
	s0 =	simm.s32 @!p1 $0x0  }
0x14: {  	s2 =	sld [smem:$0x3F93];
	s0 =	simm.s32 @p1 $0x1  }
0x15: {  	[smem:$0x3FB0] =	sst s0;
	s0 =	simm.s32 @!p2 $0x0  }
0x16: {  	s3 =	sld [smem:$0x3FDB];
	s0 =	simm.s32 @p2 $0x1  }
0x17: {  	s4 =	simm.s32 $0x1BF5;
	[smem:$0x3FB2] =	sst s0  }
0x18: {  	s0 =	sld [smem:$0x3F95];
	_ =	swait.ge [sflag:s4], $0x0  }
0x19: {  	s7 =	sld [smem:$0x3F96]  }
0x1a: {  	s8 =	sadd.s32 $0xFFFFE003, lr  }
0x1b: {  	s9 =	sadd.s32 $0xFFFFFEF7, lr;
	s5 =	simm.s32 $0xFFFFFFFF;
	p2 =	slt.u32 s8, $0xFFFFF086  }
0x1c: {  	p1 =	slt.u32 s9, $0xF7A;
	s5 =	simm.s32 @!p2 $0x0  }
0x1d: {  	s5 =	simm.s32 @p1 $0x1;
	p0 =	seq.s32 s7, s2  }
0x1e: {  	s7 =	smul.u32 @!p0 $0xF7A, s2;
	p2 =	seq.s32 @!p0 s5, $0x0  }
0x1f: {  	s9 =	smul.u32 $0xF7A, s1;
	s8 =	simm.s32 @!p0 $0x1BF5;
	p2 =	por !p2, p0  }
0x20: {  	[sflag:s8] =	ssyncset.s32 @!p0 $0xFFFFF086;
	s6 =	sadd.s32 @!p0 s3, s7;
	s7 =	simm.s32 @!p0 $0x108  }
0x21: {  	s3 =	sadd.s32 s3, s9;
	s6 =	sadd.s32 @!p0 $0x88, s6;
	s7 =	simm.s32 @p2 $0x1082  }
0x22: {  	[simem:s7], [sflag:s8] =	dma.local @!p0 [hbm:s6], $0xF7A  }
0x23: {  	s9 =	sor.u32 $0xD0000000, s2;
	s6 =	simm.s32 $0x108;
	_ =	swait.ge @!p0 [sflag:s8], $0x0  }
0x24: {  	s3 =	sadd.s32 $0x88, s3;
	s6 =	simm.s32 @!p1 $0x1082;
	[sflag:s4] =	ssyncset.s32 $0xFFFFF086  }
0x25: {  	[simem:s6], [sflag:s4] =	dma.local [hbm:s3], $0xF7A  }
0x26: {  	[smem:$0x3F96] =	sst s1;
	(tag) =	ssettag s2;
	_ =	strace s9  }
0x27: {  	s1 =	sld [smem:$0x3FA6]  }
0x28: {  	s2 =	sld [smem:$0x3FA7]  }
0x29: {  	s4 =	sld [smem:$0x3FA9]  }
0x2a: {  	p0 =	seq.s32 s5, $0x0;
	s5 =	sld [smem:$0x3FAA]  }
0x2b: {  	s6 =	sld [smem:$0x3FAB]  }
0x2c: {  	s7 =	sld [smem:$0x3FAC]  }
0x2d: {  	s3 =	simm.s32 $0x108;
	s8 =	sld [smem:$0x3FAD]  }
0x2e: {  	s3 =	simm.s32 @!p0 $0x1082;
	s9 =	sld [smem:$0x3FAE]  }
0x2f: {  	lr =	sadd.s32 s0, s3;
	s0 =	sld [smem:$0x3FA5]  }
0x30: {  	s3 =	sld [smem:$0x3FA8]  }
0x31: {  	[smem:$0x3FB1] =	sst s10  }
0x32: {  	s10 =	sld [smem:$0x3FAF];
	_ =	sdelay $0x3  }
0x33: {  	p0 =	seq.s32 s10, $0x1;
	s10 =	sld [smem:$0x3FB1];
	_ =	sdelay $0x3  }
0x34: {  	[smem:$0x3FB1] =	sst s10  }
0x35: {  	s10 =	sld [smem:$0x3FB0];
	_ =	sdelay $0x3  }
0x36: {  	p1 =	seq.s32 s10, $0x1;
	s10 =	sld [smem:$0x3FB1];
	_ =	sdelay $0x3  }
0x37: {  	[smem:$0x3FB1] =	sst s10  }
0x38: {  	s10 =	sld [smem:$0x3FB2]  }
0x39: {  	_ = 	snop;
	(pc) =	sbr.ind lr, $3  }
0x3a: {  	_ = 	snop  }
0x3b: {  	_ = 	snop  }
0x3c: {  	p2 =	seq.s32 s10, $0x1;
	s10 =	sld [smem:$0x3FB1]  }
0x3d: {  	_ =	shalt  }
0x3e: {  	_ =	shalt  }
0x3f: {  	_ =	shalt  }
0x40: {  	_ =	shalt  }
0x41: {  	_ =	shalt  }
0x42: {  	_ =	shalt  }
0x43: {  	_ =	shalt  }
0x44: {  	_ =	shalt  }
0x45: {  	_ =	shalt  }
0x46: {  	_ =	shalt  }
0x47: {  	_ =	shalt  }
0x48: {  	_ =	shalt  }
0x49: {  	_ =	shalt  }
0x4a: {  	_ =	shalt  }
0x4b: {  	_ =	shalt  }
0x4c: {  	_ =	shalt  }
0x4d: {  	_ =	shalt  }
0x4e: {  	_ =	shalt  }
0x4f: {  	_ =	shalt  }
0x50: {  	_ =	shalt  }
0x51: {  	_ =	shalt  }
0x52: {  	_ =	shalt  }
0x53: {  	_ =	shalt  }
0x54: {  	_ =	shalt  }
0x55: {  	_ =	shalt  }
0x56: {  	_ =	shalt  }
0x57: {  	_ =	shalt  }
0x58: {  	_ =	shalt  }
0x59: {  	_ =	shalt  }
0x5a: {  	_ =	shalt  }
0x5b: {  	_ =	shalt  }
0x5c: {  	_ =	shalt  }
0x5d: {  	_ =	shalt  }
0x5e: {  	_ =	shalt  }
0x5f: {  	_ =	shalt  }
0x60: {  	_ =	shalt  }
0x61: {  	_ =	shalt  }
0x62: {  	_ =	shalt  }
0x63: {  	_ =	shalt  }
0x64: {  	_ =	shalt  }
0x65: {  	_ =	shalt  }
0x66: {  	_ =	shalt  }
0x67: {  	_ =	shalt  }
0x68: {  	_ =	shalt  }
0x69: {  	_ =	shalt  }
0x6a: {  	_ =	shalt  }
0x6b: {  	_ =	shalt  }
0x6c: {  	_ =	shalt  }
0x6d: {  	_ =	shalt  }
0x6e: {  	_ =	shalt  }
0x6f: {  	_ =	shalt  }
0x70: {  	_ =	shalt  }
0x71: {  	_ =	shalt  }
0x72: {  	_ =	shalt  }
0x73: {  	_ =	shalt  }
0x74: {  	_ =	shalt  }
0x75: {  	_ =	shalt  }
0x76: {  	_ =	shalt  }
0x77: {  	_ =	shalt  }
0x78: {  	_ =	shalt  }
0x79: {  	_ =	shalt  }
0x7a: {  	_ =	shalt  }
0x7b: {  	_ =	shalt  }
0x7c: {  	_ =	shalt  }
0x7d: {  	_ =	shalt  }
0x7e: {  	_ =	shalt  }
0x7f: {  	_ =	shalt  }
0x80: {  	_ =	shalt  }
0x81: {  	_ =	shalt  }
0x82: {  	_ =	shalt  }
0x83: {  	_ =	shalt  }
0x84: {  	_ =	shalt  }
0x85: {  	_ =	shalt  }
0x86: {  	_ =	shalt  }
0x87: {  	_ =	shalt  }
.Lfunc_end0:
.L_simem_size_0:
called_computation_lowered:
.L_overlay_start_0:
0x88: {  	s0 =	sld [smem:$0x3FD9]  }
0x89: {  	s1 =	sld [smem:$0x3FFE];
	_ =	sdelay $0x3  }
0x8a: {  	s0 =	sadd.s32 s1, s0  }
0x8b: {  	[smem:$0x3FBD] =	sst s0  }
0x8c: {  	_ = 	snop  }
0x8d: {  	s0 =	sld [smem:$0x3FD0];
	_ =	sdelay $0x2  }
0x8e: {  	s13 =	simm.s32 $0xB;
	s2 =	simm.s32 $0x10  }
0x8f: {  	[smem:s2], [sflag:s13] =	dma.local [hbm:s0], $0x1  }
0x90: {  	_ =	swait.eq [sflag:s13], $0x1  }
0x91: {  	[sflag:s13] =	ssyncset.done $0x0  }
0x92: {  	[sflag:s13] =	ssyncadd.s32 $0xFFFFFFFF  }
0x93: {  	s14 =	sld [smem:$0x10];
	(tm) =	ssettm $0x1  }
0x94: {  	s15 =	sld [smem:$0x3FFB];
	_ =	sdelay $0x3  }
0x95: {  	_ =	strace s15  }
0x96: {  	s1 =	sld [smem:$0x3FFC];
	_ =	sdelay $0x3  }
0x97: {  	_ =	strace s1  }
0x98: {  	s1 =	sld [smem:$0x3FFD];
	_ =	sdelay $0x3  }
0x99: {  	_ =	strace s1  }
0x9a: {  	_ =	strace $0x8FFFFFFF  }
0x9b: {  	s16 =	sld [smem:$0x3FDB];
	_ =	sdelay $0x1  }
0x9c: {  	s17 =	simm.s32 $_scs_section_size  }
0x9d: {  	s3 =	simm.s32 $_size__tile_overlayer_lowered;
	s4 =	simm.s32 $_tile_overlayer_lowered  }
0x9e: {  	s20 =	simm.s32 $0x1BFF;
	s19 =	sshll.u32 s4, $0x1;
	s1 =	sadd.s32 s17, s16  }
0x9f: {  	s5 =	simm.s32 $0x0;
	s18 =	sshll.u32 s3, $0x1;
	s3 =	sadd.s32 s19, s1  }
0xa0: {  	[timem:s5], [sflag:s20] =	dma.local [hbm:s3], s18  }
0xa1: {  	_ =	swait.ge [sflag:s20], s18  }
0xa2: {  	s2 =	ssub.s32 $0x0, s18;
	[sflag:s20] =	ssyncset.done $0x0  }
0xa3: {  	[sflag:s20] =	ssyncadd.s32 s2;
	_ =	sdelay $0x1  }
0xa4: {  	s21 =	simm.s32 $0x1B8B  }
0xa5: {  	_ =	swait.ge [sflag:s21], $0x1  }
0xa6: {  	[sflag:s21] =	ssyncset.done $0x0  }
0xa7: {  	s23 =	simm.s32 $0x1B8E;
	s22 =	sld [smem:$0x3FFE];
	[sflag:s21] =	ssyncadd.s32 $0xFFFFFFFF  }
0xa8: {  	s24 =	simm.s32 $execute0_lowered;
	[smem:$0x3FD2] =	sst s23  }
0xa9: {  	s3 =	sshll.u32 s24, $0x1;
	_ =	strace $0x8000004C;
	[dreg:$0x1] =	wrdreg $0xFFFFFFFF  }
0xaa: {  	s25 =	simm.s32 $_size_execute0_lowered;
	s1 =	sadd.s32 s1, s3;
	[dreg:$0x0] =	wrdreg $0x0  }
0xab: {  	s3 =	sshll.u32 s25, $0x1;
	[dreg:$0x2] =	wrdreg s1  }
0xac: {  	[dreg:$0x3] =	wrdreg s3  }
0xad: {  	[dreg:$0x4] =	wrdreg $0xC0  }
0xae: {  	_ =	task [dreg:s5], $0x5FFFF  }
0xaf: {  	[dreg:$0x1] =	wrdreg $0xFFFFFFFF  }
0xb0: {  	[dreg:$0x0] =	wrdreg $0x60  }
0xb1: {  	[dreg:$0x2] =	wrdreg s22  }
0xb2: {  	[dreg:$0x3] =	wrdreg s14  }
0xb3: {  	[dreg:$0x4] =	wrdreg $0x9  }
0xb4: {  	_ =	task.clear_ibuf [dreg:s5], $0x5FFFF;
	_ =	strace $0x9000004C  }
0xb5: {  	s26 =	simm.s32 $0x9;
	_ =	strace $0x8000004E  }
0xb6: {  	_ =	swait.ge [sflag:s26], $0x1  }
0xb7: {  	[sflag:s26] =	ssyncadd.s32 $0xFFFFFFFF  }
0xb8: {  	_ =	strace $0x9000004E  }
0xb9: {  	_ =	sfence  }
0xba: {  	s28 =	sld [smem:$0x0];
	_ =	sdelay $0x1  }
0xbb: {  	s29 =	srdreg.scid  }
0xbc: {  	s30 =	sshll.u32 s29, $0xD;
	s31 =	sshrl.u32 s29, $0x2  }
0xbd: {  	s2 =	sand.u32 $0x4000, s30;
	s1 =	sand.u32 $0x1, s29;
	s0 =	sadd.s32 s31, s28  }
0xbe: {  	s1 =	sor.u32 s2, s1;
	s0 =	sshll.u32 s0, $0x11  }
0xbf: {  	s0 =	sor.u32 s0, s1  }
0xc0: {  	s0 =	sadd.s32 $0x8F2B, s0  }
0xc1: {  	[sflag:s0] =	ssyncadd.remote.s32 $0x1  }
0xc2: {  	_ =	sfence.sel $0xFFFF  }
0xc3: {  	[dreg:$0x0] =	wrdreg $0xFFFFFFFF;
	(pc) =	sbr.abs _section_cstart, $3  }
0xc4: {  	[dreg:$0x1] =	wrdreg $0xFFFFFFFF  }
0xc5: {  	_ =	task.clear_ibuf [dreg:s5], $0x2FFFF;
	_ =	strace $0x9FFFFFFF  }
0xc6: {  	(tm) =	ssettm $0x7FFFFFFF  }
0xc7: {  	_ =	shalt  }
tec
execute0_lowered:
.L_overlay_start_1:
0x0: {  	(tag) =	ssettag $0x1  }
0x1: {  	s0 =	rddreg [dreg:$0x0];
	_ =	strace $0x8000004D;
	s15 =	stileid.u32  }
0x2: {  	s2 =	simm.s32 $0x1;
	s1 =	smin.u32 s15, $0x8;
	s4 =	sshll.u32 s15, $0x1  }
0x3: {  	v1 =	vimm.s32 $0xFFFFFFFF;
	[sflag:s2] =	ssyncpa.u1 $0x0;
	s1 =	sadd.s32 s1, s4  }
0x4: {  	p0 =	slt.u32 s15, $0x8;
	[tilespmem:$0x10] =	vst v1;
	s5 =	smul.u32 $0x1F40, s1;
	s1 =	simm.s32 $0x5DC0  }
0x5: {  	v0 =	vimm.f32 $-Inf;
	[tilespmem:$0x20] =	vst v1;
	s1 =	simm.s32 @!p0 $0x3E80  }
0x6: {  	[tilespmem:$0x30] =	vst v0;
	s1 =	sadd.s32 s1, s5  }
0x7: {  	[tilespmem:$0x40] =	vst v0;
	s6 =	smin.u32 s1, $0x4E200  }
0x8: {  	s7 =	simm.s32 $0x2;
	s8 =	simm.s32 $0x8;
	[tilespmem:$0x50] =	vst v0;
	s3 =	ssub.s32 s6, s5  }
0x9: {  	s31 =	simm.s32 $0x9;
	s16 =	simm.s32 $0x0;
	[tilespmem:$0x60] =	vst v1;
	p0 =	sgt.s32 s3, $0x0  }
0xa: {  	s17 =	simm.s32 $0xF0;
	s18 =	simm.s32 $0xFFFFFFFF;
	[tilespmem:$0x70] =	vst v1;
	s3 =	simm.s32 @!p0 $0x0  }
0xb: {  	s19 =	simm.s32 $0xFFFFC280;
	s20 =	simm.s32 $0xFFFFFFFE;
	[tilespmem:$0x80] =	vst v1;
	s30 =	smulhi.u32 $0x10624DD3, s3  }
0xc: {  	s21 =	simm.s32 $0xF;
	s25 =	simm.s32 $0x0;
	s24 =	simm.s32 $0x0;
	v1 =	vimm.s32 $0x0;
	[tilespmem:$0xB0] =	vst v0  }
0xd: {  	s15 =	sshllo.u32 s15, $0x1;
	s13 =	sor.u32 $0x80, s4;
	[tilespmem:$0x90] =	vst v1;
	s10 =	sshrl.u32 s30, $0x9  }
0xe: {  	[tilespmem:$0xA0] =	vst v1;
	[sflag:s7] =	ssyncpa.u1 $0x0;
	s7 =	simm.s32 $0x7;
	s9 =	smul.u32 $0x1F40, s10  }
.Ltmp0:
0xf: {  	s14 =	sor.u32 $0x81, s4;
	[sflag:s7] =	ssyncpa.u1 $0x0;
	(pc) =	sbr.rel .LBB2_1-.Ltmp0, $4  }
0x10: {  	[sflag:s8] =	ssyncpa.u1 $0x0;
	s23 =	smov.u32 s5;
	p0 =	sne.s32 s3, s9  }
0x11: {  	s1 =	sadd.s32 $0x15200, s0;
	s0 =	sadd.s32 $0xB400, s0;
	s2 =	simm.s32 @!p0 $0x0  }
0x12: {  	vm0 =	vmmov $0xffff;
	v2 =	vlaneseq.u32;
	vm1 =	vmxor vm1, vm1;
	[sflag:s31] =	ssyncpa.u1 $0x0;
	[dreg:$0x3] =	wrdreg s0;
	s10 =	sadd.s32 s2, s10  }
0x13: {  	vm2 =	vmmov $0x1;
	v3 =	vimm.f32 $0.0e+00;
	vm3 =	vcmask $0x3F3C;
	p0 =	por $0x0, $0x0;
	s11 =	sadd.s32 $0x1, s10;
	s12 =	sadd.s32 $0x2, s10  }
.LBB2_9:
0x14: {  	p1 =	slt.u32 s24, $0x3  }
0x15: {  	s0 =	simm.s32 @!p1 $0x2  }
0x16: {  	_ =	swait.ge @!p1 [sflag:s0], $0x1F40  }
0x17: {  	[sflag:s0] =	ssyncset.done @!p1 $0x0  }
0x18: {  	[sflag:s0] =	ssyncadd.s32 @!p1 $0xFFFFE0C0;
	s0 =	simm.s32 @!p1 $0x9  }
0x19: {  	_ =	swait.ge @!p1 [sflag:s0], $0x10  }
0x1a: {  	[sflag:s0] =	ssyncset.done @!p1 $0x0  }
0x1b: {  	[sflag:s0] =	ssyncadd.s32 @!p1 $0xFFFFFFF0;
	p1 =	sne.s32 s24, s12  }
.Ltmp1:
0x1c: {  	s2 =	sadd.s32 $0x1F40, s23;
	(pc) =	sbr.rel @!p1 .LBB2_10-.Ltmp1, $4  }
0x1d: {  	s3 =	smov.u32 s5;
	s31 =	sadd.s32 $0x1, s24;
	s17 =	sadd.s32 $0x1F40, s17  }
0x1e: {  	s18 =	sadd.s32 $0x1, s18;
	s25 =	smov.u32 s23;
	p2 =	slt.s32 s2, s6  }
0x1f: {  	p0 =	por !p0, !p0;
	s19 =	sadd.s32 $0x1F40, s19;
	s3 =	smov.u32 @p2 s2  }
0x20: {  	s20 =	sadd.s32 $0x1, s20;
	s23 =	smov.u32 s3;
	s24 =	smov.u32 s31  }
.LBB2_1:
0x21: {  	p1 =	sge.u32 s24, s10  }
0x22: {  	s0 =	smulhi.u32 @!p1 $0xAAAAAAAB, s24;
	_ =	sdelay $0x1  }
0x23: {  	s0 =	sshrl.u32 @!p1 s0, $0x1  }
0x24: {  	s0 =	smul.u32 @!p1 $0x3, s0;
	_ =	sdelay $0x1  }
0x25: {  	s0 =	ssub.s32 @!p1 s24, s0  }
0x26: {  	s0 =	smul.u32 @!p1 $0x7D00, s0;
	_ =	sdelay $0x1  }
0x27: {  	s3 =	rddreg [dreg:$0x1];
	s2 =	sshrl.u32 @!p1 s23, $0x3;
	s0 =	sshrl.u32 @!p1 s0, $0x2  }
0x28: {  	s2 =	sadd.s32 @!p1 s3, s2;
	s3 =	sand.u32 @!p1 $0x7, s23;
	s0 =	sadd.s32 @!p1 $0x100, s0  }
0x29: {  	[tilespmem:s0], [sflag:$0x7] =	stream.linear.gather @!p1 [hbm4b:s2+s3], $0x1F40, $0x38;
	[tilespmem:$0x11A60] =	vst v63  }
0x2a: {  	s0 =	sadd.s32 $0xFFFFFFFF, s24  }
0x2b: {  	p1 =	sge.u32 s0, s10  }
.Ltmp2:
0x2c: {  	_ = 	snop;
	(pc) =	sbr.rel @p1 .LBB2_5-.Ltmp2, $1  }
0x2d: {  	_ =	sdelay $0x3  }
0x2e: {  	s2 =	smulhi.u32 $0xAAAAAAAB, s0;
	_ =	sdelay $0x1  }
0x2f: {  	s2 =	sshrl.u32 s2, $0x1  }
0x30: {  	s2 =	smul.u32 $0x3, s2;
	_ =	sdelay $0x1  }
0x31: {  	s2 =	ssub.s32 s0, s2  }
0x32: {  	s2 =	smul.u32 $0x7D00, s2  }
0x33: {  	_ =	swait.ge [sflag:s7], $0x1F40  }
0x34: {  	[sflag:s7] =	ssyncset.done $0x0;
	s2 =	sshrl.u32 s2, $0x2  }
0x35: {  	[sflag:s7] =	ssyncadd.s32 $0xFFFFE0C0;
	(ifvalue) =	ssetifvalue $0xFFFFFFFF;
	v4 =	vld.msk [tilespmem:s2+$0x100 ss:$0x1], $0xffff;
	_ =	sdelay $0x2  }
0x36: {  	s29 =	smulhi.u32 $0xAAAAAAAB, s18;
	p1 =	sne.s32 s24, $0x1  }
0x37: {  	v5 =	vimm.s32 @!p1 $0x0  }
0x38: {  	s2 =	sshrl.u32 s29, $0x1;
	v5 =	vperm.xlane @!p1 v4, v5  }
0x39: {  	s3 =	sshll.u32 s24, $0x4;
	s2 =	smul.u32 $0xFFFE8900, s2;
	vm4 =	vlt.u32 v4, $0x2800  }
0x3a: {  	s3 =	sand.u32 $0x10, s3;
	v4 =	vnsel vm4, $0xFFFFFFFE, v4;
	vm4 =	vlt.u32 @!p1 v5, $0x2800  }
0x3b: {  	s2 =	sshra.s32 s2, $0x2;
	[tilespmem:s3+$0x60] =	vst v4;
	v4 =	vnsel @!p1 vm4, $0xFFFFFFFE, v5  }
0x3c: {  	s30 =	sadd.s32 s2, s17;
	[tilespmem:$0x80] =	vst @!p1 v4  }
0x3d: {  	v4 =	vld.msk [tilespmem:s30+$0x0 ss:$0x1], $0xffff;
	_ =	sdelay $0x4  }
0x3e: {  	(xrf1) =	vunique.msk.u32 $0xffff, v4;
	_ =	sdelay $0xd  }
0x3f: {  	v5 =	vimm.s32 $0xFFFFFFFF;
	v6, _, _ =	vpop (xrf1)  }
0x40: {  	vm5 =	vne.s32 v4, v5;
	vm4 =	veq.s32 v6, v2  }
0x41: {  	vm6 =	vlt.u32 v4, $0x2800;
	vm4 =	vmand vm5, vm4  }
0x42: {  	vm4 =	vmand vm6, vm4  }
0x43: {  	v5 =	vnsel vm4, $0xFFFFFFFF, v4  }
0x44: {  	s31 =	sand.u32 $0x1, s0  }
0x45: {  	s26 =	simm.s32 $0x1F40;
	p1 =	seq.s32 s31, $0x1  }
0x46: {  	s26 =	simm.s32 @!p1 $0x0  }
0x47: {  	s28 =	sadd.s32 $0x7DF0, s26;
	(ifvalue) =	ssetifvalue $0xFFFFFFFF  }
0x48: {  	v4 =	vperm.xlane v4, v1;
	[tilespmem:s28], [sflag:$0x8] =	stream.indirect_vreg.gather [hbm4b:s1+s16], $0x1, v5, vm0, $0x4038;
	v5 =	vnsel vm6, $0xFFFFFFFE, v5;
	[tilespmem:$0x11A60] =	vst v63  }
0x49: {  	s0 =	simm.s32 $0x0;
	s2 =	sadd.s32 $0xFFFFFFF0, s30;
	[tilespmem:s30+$0x0] =	vst v5  }
.LBB2_3:
0x4a: {  	v5 =	vld.msk [tilespmem:s2+$0x0 ss:$0x1], $0xffff;
	s0 =	sadd.s32 $0x10, s0;
	v6 =	vmov v4;
	s3 =	smov.u32 s2  }
0x4b: {  	p1 =	slt.u32 s0, $0x1F30;
	_ =	sdelay $0x4  }
0x4c: {  	v4 =	vperm.xlane v5, v1;
	(xrf1) =	vunique.msk.u32 $0xffff, v5;
	_ =	sdelay $0xd  }
0x4d: {  	v7, _, _ =	vpop (xrf1)  }
0x4e: {  	vm5 =	vne.s32 v5, v6;
	vm4 =	veq.s32 v7, v2  }
0x4f: {  	vm6 =	vlt.u32 v5, $0x2800;
	vm4 =	vmand vm5, vm4  }
0x50: {  	vm4 =	vmand vm6, vm4  }
0x51: {  	v5 =	vnsel vm4, $0xFFFFFFFF, v5  }
.Ltmp3:
0x52: {  	v6 =	vnsel vm6, $0xFFFFFFFE, v5;
	(pc) =	sbr.rel @p1 .LBB2_3-.Ltmp3, $3  }
0x53: {  	_ =	sdelay $0x1  }
0x54: {  	s2 =	sadd.s32 $0xFFFFFFF0, s2;
	s28 =	sadd.s32 $0xFFFFFFF0, s28;
	(ifvalue) =	ssetifvalue $0xFFFFFFFF  }
0x55: {  	[tilespmem:s28], [sflag:$0x8] =	stream.indirect_vreg.gather [hbm4b:s1+s16], $0x1, v5, vm0, $0x4038;
	[tilespmem:s3+$0x0] =	vst v6  }
0x56: {  	s0 =	sshrl.u32 s25, $0x3;
	s2 =	rddreg [dreg:$0x3]  }
0x57: {  	s31 =	sadd.s32 $0x9D40, s26;
	s0 =	sadd.s32 s2, s0  }
0x58: {  	[tilespmem:s31], [sflag:$0x8] =	stream.linear.gather [hbm:s0], $0x1F40, $0x38;
	[tilespmem:$0x11A60] =	vst v63  }
.LBB2_5:
0x59: {  	p1 =	slt.u32 s24, $0x2  }
0x5a: {  	p2 =	sge.u32 @!p1 s24, s12  }
0x5b: {  	p1 =	por p1, p2  }
.Ltmp4:
0x5c: {  	_ = 	snop;
	(pc) =	sbr.rel @p1 .LBB2_9-.Ltmp4, $1  }
0x5d: {  	_ =	sdelay $0x3  }
0x5e: {  	s0 =	sadd.s32 $0xFFFFFFFE, s24  }
0x5f: {  	s2 =	smulhi.u32 $0xAAAAAAAB, s0;
	_ =	sdelay $0x1  }
0x60: {  	s2 =	sshrl.u32 s2, $0x1  }
0x61: {  	s2 =	smul.u32 $0x3, s2;
	_ =	sdelay $0x1  }
0x62: {  	s0 =	ssub.s32 s0, s2  }
0x63: {  	_ =	swait.ge [sflag:s8], $0x3E80;
	s0 =	smul.u32 $0x1F40, s0  }
0x64: {  	p1 =	sne.s32 s24, s11;
	[sflag:s8] =	ssyncset.done $0x0  }
0x65: {  	[sflag:s8] =	ssyncadd.s32 $0xFFFFC180;
	s2 =	sadd.s32 @!p1 $0x203F, s0  }
0x66: {  	[spmem:s14] =	stream.linear.scatter @!p1 [tilespmem:s2], [sflag:$0x1], $0x1, $0x38;
	[tilespmem:$0x11A60] =	vst v63  }
0x67: {  	s2 =	simm.s32 @!p1 $0x1  }
0x68: {  	_ =	swait.ge @!p1 [sflag:s2], $0x1  }
0x69: {  	s3 =	sshll.u32 s24, $0x4;
	[sflag:s2] =	ssyncset.done @!p1 $0x0  }
0x6a: {  	s25 =	sand.u32 $0x10, s3;
	[sflag:s2] =	ssyncadd.s32 @!p1 $0xFFFFFFFF  }
0x6b: {  	s2 =	sxor.u32 $0x10, s25;
	v5 =	vld [tilespmem:s25+$0x10]  }
0x6c: {  	v6 =	vld [tilespmem:s2+$0x60]  }
0x6d: {  	v4 =	vld [tilespmem:$0x80];
	_ =	sdelay $0x2  }
0x6e: {  	(v2sf) =	vpush v5, $0x0  }
0x6f: {  	(v2sf) =	vpush v6, $0x0  }
0x70: {  	(v2sf) =	vpush v4, $0x0;
	_ =	sdelay $0xc  }
0x71: {  	s9 =	spop (v2sf)  }
0x72: {  	s22 =	spop (v2sf)  }
0x73: {  	s28 =	spop (v2sf)  }
0x74: {  	p2 =	seq.s32 s9, s22;
	p3 =	seq.s32 s28, s9  }
0x75: {  	p3 =	por p2, p3  }
0x76: {  	s26 =	sand.u32 $0x1, s24;
	v5 =	vpsel p3, $0xFFFFFFFF, v5  }
0x77: {  	s29 =	smul.u32 $0x1F40, s26;
	[tilespmem:s25+$0x10] =	vst.msk $0x1, v5  }
0x78: {  	v5 =	vld [tilespmem:$0x30]  }
0x79: {  	v6 =	vld [tilespmem:s29+$0x9D40]  }
0x7a: {  	v7 =	vld [tilespmem:s25+$0x40];
	_ =	sdelay $0x2  }
0x7b: {  	vm4 =	vmmov vm1  }
0x7c: {  	vm5 =	vmmov vm2;
	s3 =	sshll.u32 s26, $0x4;
	vm4 =	vmmov @p2 vm2;
	v6 =	vmax.f32 v5, v6  }
0x7d: {  	s26 =	sor.u32 $0x11A40, s3;
	vm5 =	vmmov @p3 vm1;
	v5 =	vmax.f32 v5, v7;
	[tilespmem:s29+$0x9D40] =	vst.msk vm4, v6  }
0x7e: {  	[tilespmem:s26+$0x0] =	vst.msk vm5, v5  }
0x7f: {  	v5 =	vld [tilespmem:s29+$0x7DF0];
	_ =	sdelay $0x4  }
0x80: {  	v5 =	vshift.insert v5, v3, s21  }
0x81: {  	s9 =	sor.u32 $0x40, s2  }
0x82: {  	v6 =	vimm.f32 $-Inf;
	[tilespmem:s9+$0x0] =	vst.msk $0x1, v5  }
0x83: {  	[tilespmem:s29+$0x7DFF] =	vst.msk $0x1, v6  }
0x84: {  	v5 =	vld [tilespmem:s0+$0x2030]  }
0x85: {  	s22 =	smulhi.u32 $0xAAAAAAAB, s20;
	_ =	sdelay $0x1  }
0x86: {  	s3 =	simm.s32 $0x1;
	s0 =	sshrl.u32 s22, $0x1  }
0x87: {  	s3 =	simm.s32 @!p0 $0x0;
	s0 =	smul.u32 $0xFFFE8900, s0  }
0x88: {  	s3 =	smul.u32 $0x7D00, s3;
	v5 =	vshift.insert v5, v1, s21  }
0x89: {  	s0 =	sshra.s32 s0, $0x2  }
0x8a: {  	s3 =	sshrl.u32 s3, $0x2;
	s22 =	sadd.s32 s0, s19;
	[tilespmem:s2+$0x10] =	vst.msk $0x1, v5  }
0x8b: {  	s2 =	sadd.s32 $0x9D40, s3;
	v7 =	vld [tilespmem:s22+$0x0]  }
0x8c: {  	v8 =	vld [tilespmem:s2+$0x0];
	_ =	sdelay $0x4  }
0x8d: {  	vm4 =	vne.s32 v7, $0xFFFFFFFF;
	v6 =	vmax.f32 v8, v6  }
0x8e: {  	(xrf0) =	vmax.seg.scan.f32 vm4, v6  }
0x8f: {  	s9 =	sadd.s32 $0x5EC0, s3;
	v8 =	vld [tilespmem:$0xA0]  }
0x90: {  	v9 =	vld [tilespmem:s9+$0x0];
	_ =	sdelay $0x1  }
0x91: {  	v6 =	vperm.xlane v5, v1;
	_ =	sdelay $0x1  }
0x92: {  	vm6 =	veq.s32 v7, v4;
	vm7 =	veq.s32 v7, v6;
	vm5 =	veq.s32 v8, $0x1;
	v8, _, _ =	vpop (xrf0)  }
0x93: {  	vm8 =	vgt.u32 v7, $0xFFFFFFFD;
	vm7 =	vmor vm7, vm6;
	v9 =	vmax.f32 v8, v9  }
0x94: {  	s30 =	sadd.s32 $0xDBC0, s3;
	v10 =	vld [tilespmem:$0x90];
	vm7 =	vmor vm7, vm8;
	v9 =	vsel vm6, v8, v9  }
0x95: {  	[tilespmem:s30+$0x0] =	vst v9;
	v9 =	vsel vm7, $0xFFFFFFFF, v7;
	_ =	sdelay $0x1  }
0x96: {  	vm9 =	vmand vm4, vm3  }
0x97: {  	s31 =	simm.s32 $0x0;
	s3 =	sadd.s32 $0x10, s9;
	s0 =	sadd.s32 $0x10, s2;
	v11 =	vsel vm9, $0xFF800000, v8  }
0x98: {  	s2 =	sadd.s32 $0x10, s22;
	s22 =	sadd.s32 $0x10, s30;
	vm4 =	vmor vm5, vm6;
	v7 =	vsel vm6, v8, v10;
	v8 =	vshift.insert v11, v0, s21;
	(ifvalue) =	ssetifvalue $0xFFFFFFFF  }
.LBB2_7:
0x99: {  	[hbm4b:s1+s16] =	stream.indirect_vreg.scatter [tilespmem:s30], [sflag:$0x2], $0x1, v9, vm0, $0x4038;
	[tilespmem:$0x11A60] =	vst v63  }
0x9a: {  	s31 =	sadd.s32 $0x10, s31;
	s30 =	smov.u32 s22;
	v9 =	vld [tilespmem:s2+$0x0]  }
0x9b: {  	p2 =	slt.u32 s31, $0x1F30;
	v10 =	vld [tilespmem:s0+$0x0];
	_ =	sdelay $0x4  }
0x9c: {  	vm5 =	vne.s32 v9, $0xFFFFFFFF;
	v8 =	vmax.f32 v10, v8  }
0x9d: {  	(xrf0) =	vmax.seg.scan.f32 vm5, v8;
	_ =	sdelay $0x1  }
0x9e: {  	v8 =	vld [tilespmem:s3+$0x0]  }
0x9f: {  	vm6 =	veq.s32 v9, v4;
	vm7 =	veq.s32 v9, v6  }
0xa0: {  	vm8 =	vgt.u32 v9, $0xFFFFFFFD;
	vm4 =	vmor vm4, vm6;
	vm7 =	vmor vm7, vm6  }
0xa1: {  	vm7 =	vmor vm7, vm8  }
.Ltmp5:
0xa2: {  	vm5 =	vmand vm5, vm3;
	v9 =	vsel vm7, $0xFFFFFFFF, v9;
	v10, _, _ =	vpop (xrf0);
	(pc) =	sbr.rel @p2 .LBB2_7-.Ltmp5, $4  }
0xa3: {  	v7 =	vsel vm6, v10, v7;
	v8 =	vmax.f32 v10, v8;
	v11 =	vsel vm5, $0xFF800000, v10  }
0xa4: {  	v10 =	vsel vm6, v10, v8;
	v8 =	vshift.insert v11, v0, s21  }
0xa5: {  	s2 =	sadd.s32 $0x10, s2;
	s0 =	sadd.s32 $0x10, s0;
	[tilespmem:s22+$0x0] =	vst v10  }
0xa6: {  	s3 =	sadd.s32 $0x10, s3;
	s22 =	sadd.s32 $0x10, s22;
	(ifvalue) =	ssetifvalue $0xFFFFFFFF  }
0xa7: {  	_ =	sdelay $0x3  }
0xa8: {  	[hbm4b:s1+s16] =	stream.indirect_vreg.scatter [tilespmem:s30], [sflag:$0x2], $0x1, v9, vm0, $0x4038;
	[tilespmem:$0x11A60] =	vst v63  }
0xa9: {  	v4 =	vld [tilespmem:s29+$0xFAF0];
	_ =	sdelay $0x4  }
0xaa: {  	v4 =	vshift.insert v4, v3, s21  }
0xab: {  	s0 =	simm.s32 $0x30  }
0xac: {  	[tilespmem:s0+$0x0] =	vst.msk $0x1, v4  }
0xad: {  	v4 =	vsel vm4, $0x1, v1;
	[tilespmem:$0x90] =	vst v7  }
0xae: {  	s0 =	sadd.s32 @!p1 $0xFAFF, s29;
	[tilespmem:$0xA0] =	vst v4  }
0xaf: {  	[spmem:s15] =	stream.linear.scatter @!p1 [tilespmem:s0], [sflag:$0x1], $0x1, $0x38;
	[tilespmem:$0x11A60] =	vst v63  }
0xb0: {  	s0 =	simm.s32 @!p1 $0x1  }
0xb1: {  	v4 =	vmctz.xlane @!p1 vm4;
	_ =	swait.ge @!p1 [sflag:s0], $0x1  }
0xb2: {  	(v2sf) =	vpush @!p1 v5, $0x0  }
0xb3: {  	(v2sf) =	vpush @!p1 v4, $0x0;
	_ =	sdelay $0xd  }
0xb4: {  	s2 =	spop @!p1 (v2sf)  }
0xb5: {  	s3 =	spop @!p1 (v2sf)  }
0xb6: {  	p2 =	sne.s32 @!p1 s28, s2;
	p3 =	slt.s32 @!p1 s3, $0xF  }
0xb7: {  	[sflag:s0] =	ssyncset.done @!p1 $0x0;
	p2 =	por p2, p1;
	p3 =	por !p3, p1  }
0xb8: {  	[sflag:s0] =	ssyncadd.s32 @!p1 $0xFFFFFFFF;
	v4 =	vimm.s32 @!p2 $0xFFFFFFFF;
	s3 =	simm.s32 @p3 $0xF  }
0xb9: {  	[tilespmem:$0x80] =	vst @!p2 v4;
	s2 =	sadd.s32 @!p1 $0x90, s3  }
0xba: {  	[spmem:s4] =	stream.linear.scatter @!p1 [tilespmem:s2], [sflag:$0x1], $0x1, $0x38;
	[tilespmem:$0x11A60] =	vst v63  }
0xbb: {  	_ =	swait.ge @!p1 [sflag:s0], $0x1  }
0xbc: {  	[sflag:s0] =	ssyncset.done @!p1 $0x0  }
0xbd: {  	s2 =	simm.s32 @!p1 $0x80;
	[sflag:s0] =	ssyncadd.s32 @!p1 $0xFFFFFFFF  }
0xbe: {  	[spmem:s13] =	stream.linear.scatter @!p1 [tilespmem:s2], [sflag:$0x1], $0x1, $0x38;
	[tilespmem:$0x11A60] =	vst v63  }
0xbf: {  	_ =	swait.ge @!p1 [sflag:s0], $0x1  }
0xc0: {  	[sflag:s0] =	ssyncset.done @!p1 $0x0  }
0xc1: {  	[sflag:s0] =	ssyncadd.s32 @!p1 $0xFFFFFFFF;
	(ifvalue) =	ssetifvalue $0xFFFFFFFF;
	v4 =	vld [tilespmem:s25+$0x10];
	_ =	sdelay $0x3  }
.Ltmp6:
0xc2: {  	_ = 	snop;
	(pc) =	sbr.rel .LBB2_9-.Ltmp6, $3  }
0xc3: {  	_ =	sdelay $0x1  }
0xc4: {  	(ifvalue) =	ssetifvalue $0xFFFFFFFF  }
0xc5: {  	[hbm4b:s1+s16] =	stream.indirect_vreg.scatter [tilespmem:s26], [sflag:$0x9], $0x1, v4, vm0, $0x4038;
	[tilespmem:$0x11A60] =	vst v63  }
.LBB2_10:
0xc6: {  	_ =	sfence.sel $0x180000  }
0xc7: {  	s0 =	simm.s32 $0x7;
	[bflag:$0x0] =	sbarrier.arrive $0xFFFF  }
0xc8: {  	s26 =	simm.s32 $0x8;
	[sflag:s0] =	ssyncpa.u1 $0x1  }
0xc9: {  	s28 =	simm.s32 $0x9;
	[sflag:s26] =	ssyncpa.u1 $0x1  }
0xca: {  	[sflag:s28] =	ssyncpa.u1 $0x1  }
0xcb: {  	_ =	sfence.stream.spmem  }
0xcc: {  	s29 =	simm.s32 $0x3;
	[bflag:$0x0] =	sbarrier.arrive $0xFFFF  }
0xcd: {  	s30 =	simm.s32 $0x4;
	[sflag:s29] =	ssyncpa.u1 $0x1  }
0xce: {  	s31 =	simm.s32 $0x3C;
	s2 =	stileid.u32;
	[sflag:s30] =	ssyncpa.u1 $0x1  }
0xcf: {  	p0 =	sne.s32 s2, $0x0;
	[sflag:s31] =	ssyncpa.u1 $0x1  }
0xd0: {  	s0 =	simm.s32 @p0 $0x1;
	_ =	sfence @p0  }
0xd1: {  	[sflag:s0] =	ssyncpa.u1 @p0 $0x1;
	s0 =	simm.s32 @p0 $0x2  }
0xd2: {  	[sflag:s0] =	ssyncpa.u1 @p0 $0x1  }
0xd3: {  	_ =	strace @p0 $0x9000004D  }
0xd4: {  	[bflag:$0x2] =	sbarrier.arrive @p0 $0xFFFF  }
0xd5: {  	_ =	shalt @p0  }
.LBB2_11:
0xd6: {  	_ =	sfence.stream.spmem;
	s0 =	simm.s32 $0x5  }
0xd7: {  	s2 =	simm.s32 $0x80;
	s3 =	simm.s32 $0xC0;
	[sflag:s0] =	ssyncpa.u1 $0x0  }
0xd8: {  	[tilespmem:s3], [sflag:$0x5] =	stream.linear.gather [spmem:s2], $0x20, $0x38;
	[tilespmem:$0x11A60] =	vst v63  }
0xd9: {  	s30 =	simm.s32 $0xE0;
	s2 =	simm.s32 $0x0  }
0xda: {  	[tilespmem:s30], [sflag:$0x5] =	stream.linear.gather [spmem:s2], $0x20, $0x38;
	[tilespmem:$0x11A60] =	vst v63  }
.Ltmp7:
0xdb: {  	_ = 	snop;
	(pc) =	sbr.rel .LBB2_12-.Ltmp7, $4  }
0xdc: {  	_ =	swait.ge [sflag:s0], $0x40  }
0xdd: {  	[sflag:s0] =	ssyncset.done $0x0  }
0xde: {  	s31 =	simm.s32 $0x6;
	[sflag:s0] =	ssyncadd.s32 $0xFFFFFFC0  }
0xdf: {  	s3 =	simm.s32 $0x0;
	[sflag:s31] =	ssyncpa.u1 $0x0  }
.LBB2_17:
0xe0: {  	p0 =	sgt.u32 s4, $0x27FF  }
0xe1: {  	s0 =	sshrl.u32 @!p0 s4, $0x3  }
0xe2: {  	s4 =	sand.u32 @!p0 $0x7, s4;
	s5 =	simm.s32 @!p0 $0xB0;
	s0 =	sadd.s32 @!p0 s1, s0  }
0xe3: {  	[tilespmem:s5], [sflag:$0x6] =	stream.linear.gather @!p0 [hbm4b:s0+s4], $0x1, $0x38;
	[tilespmem:$0x11A60] =	vst v63  }
0xe4: {  	s0 =	simm.s32 @!p0 $0x6  }
0xe5: {  	_ =	swait.ge @!p0 [sflag:s0], $0x1  }
0xe6: {  	[sflag:s0] =	ssyncset.done @!p0 $0x0  }
0xe7: {  	[sflag:s0] =	ssyncadd.s32 @!p0 $0xFFFFFFFF  }
0xe8: {  	v1 =	vld.msk @!p0 [tilespmem:$0xB0], $0x1  }
0xe9: {  	v2 =	vld.msk @!p0 [tilespmem:s3+$0xE0], $0x1;
	_ =	sdelay $0x4  }
0xea: {  	v1 =	vmax.f32 @!p0 v2, v1  }
0xeb: {  	[tilespmem:s3+$0xE0] =	vst.msk @!p0 $0x1, v1  }
0xec: {  	[tilespmem:s2+$0xC0] =	vst.msk $0x1, v0  }
0xed: {  	v0 =	vld.msk [tilespmem:s3+$0xE0], $0x1;
	_ =	sdelay $0x4  }
0xee: {  	[tilespmem:s2+$0xE0] =	vst.msk $0x1, v0;
	s2 =	sadd.s32 $0x1, s2  }
.LBB2_19:
0xef: {  	s3 =	sadd.s32 $0x1, s3  }
0xf0: {  	p0 =	sne.s32 s3, $0x20  }
.Ltmp8:
0xf1: {  	_ = 	snop;
	(pc) =	sbr.rel @!p0 .LBB2_20-.Ltmp8, $1  }
0xf2: {  	_ =	sdelay $0x3  }
.LBB2_12:
0xf3: {  	v0 =	vld.msk [tilespmem:s3+$0xC0], $0x1;
	_ =	sdelay $0x4  }
0xf4: {  	(v2sf) =	vpush v0, $0x0;
	_ =	sdelay $0xe  }
0xf5: {  	s4 =	spop (v2sf)  }
0xf6: {  	p0 =	seq.s32 s4, $0xFFFFFFFF  }
.Ltmp9:
0xf7: {  	_ = 	snop;
	(pc) =	sbr.rel @p0 .LBB2_19-.Ltmp9, $1  }
0xf8: {  	_ =	sdelay $0x3  }
0xf9: {  	p0 =	slt.s32 s2, $0x1  }
.Ltmp10:
0xfa: {  	_ = 	snop;
	(pc) =	sbr.rel @p0 .LBB2_17-.Ltmp10, $1  }
0xfb: {  	_ =	sdelay $0x3  }
0xfc: {  	s0 =	simm.s32 $0xC0;
	p0 =	por $0x0, $0x0  }
0xfd: {  	v1 =	vld.msk @!p0 [tilespmem:s0+$0x0], $0x1;
	_ =	sdelay $0x4  }
0xfe: {  	(v2sf) =	vpush @!p0 v1, $0x0;
	_ =	sdelay $0xd  }
0xff: {  	p2 =	sne.s32 s2, $0x1  }
.Ltmp11:
0x100: {  	s5 =	spop @!p0 (v2sf);
	(pc) =	sbr.rel @!p2 .LBB2_16-.Ltmp11, $4  }
0x101: {  	p1 =	seq.s32 @!p0 s4, s5  }
0x102: {  	s5 =	simm.s32 $0x0;
	p1 =	por !p1, p0  }
0x103: {  	s7 =	simm.s32 $0xFFFFFFFF;
	s5 =	simm.s32 @p1 $0xFFFFFFFF  }
0x104: {  	s6 =	simm.s32 $0x1;
	s5 =	smov.u32 @p0 s7  }
.LBB2_15:
0x105: {  	s7 =	smov.u32 s5;
	p0 =	sne.s32 s5, $0xFFFFFFFF  }
0x106: {  	s0 =	sadd.s32 $0x1, s0;
	s5 =	smov.u32 s6;
	s6 =	sadd.s32 $0x1, s6  }
0x107: {  	p1 =	sne.s32 s2, s6;
	v1 =	vld.msk @!p0 [tilespmem:s0+$0x0], $0x1;
	_ =	sdelay $0x4  }
0x108: {  	(v2sf) =	vpush @!p0 v1, $0x0;
	_ =	sdelay $0xe  }
.Ltmp12:
0x109: {  	s8 =	spop @!p0 (v2sf);
	(pc) =	sbr.rel @p1 .LBB2_15-.Ltmp12, $4  }
0x10a: {  	p2 =	seq.s32 @!p0 s4, s8  }
0x10b: {  	p2 =	por !p2, p0  }
0x10c: {  	s5 =	simm.s32 @p2 $0xFFFFFFFF  }
0x10d: {  	s5 =	smov.u32 @p0 s7  }
.LBB2_16:
0x10e: {  	p0 =	sne.s32 s5, $0xFFFFFFFF  }
.Ltmp13:
0x10f: {  	_ = 	snop;
	(pc) =	sbr.rel @!p0 .LBB2_17-.Ltmp13, $1  }
0x110: {  	_ =	sdelay $0x3  }
0x111: {  	v0 =	vld.msk [tilespmem:s3+$0xE0], $0x1  }
0x112: {  	v1 =	vld.msk [tilespmem:s5+$0xE0], $0x1;
	_ =	sdelay $0x1  }
.Ltmp14:
0x113: {  	_ = 	snop;
	(pc) =	sbr.rel .LBB2_19-.Ltmp14, $3  }
0x114: {  	_ =	sdelay $0x1  }
0x115: {  	v0 =	vmax.f32 v1, v0  }
0x116: {  	[tilespmem:s5+$0xE0] =	vst.msk $0x1, v0  }
.LBB2_20:
0x117: {  	p0 =	slt.s32 s2, $0x1  }
.Ltmp15:
0x118: {  	_ = 	snop;
	(pc) =	sbr.rel @p0 .LBB2_24-.Ltmp15, $3  }
0x119: {  	_ =	sdelay $0x1  }
0x11a: {  	s0 =	simm.s32 $0x6  }
0x11b: {  	s3 =	simm.s32 $0x0;
	[sflag:s0] =	ssyncpa.u1 $0x1  }
0x11c: {  	s0 =	simm.s32 $0xC0  }
0x11d: {  	v0 =	vld.msk [tilespmem:s0+$0x0], $0x1;
	_ =	sdelay $0x4  }
0x11e: {  	(v2sf) =	vpush v0, $0x0;
	_ =	sdelay $0xe  }
0x11f: {  	s2 =	sadd.s32 $0xFFFFFFFF, s2;
	s4 =	spop (v2sf)  }
0x120: {  	p1 =	sne.s32 s2, $0x0;
	p0 =	sgt.u32 s4, $0x27FF  }
.Ltmp16:
0x121: {  	s5 =	sshrl.u32 @!p0 s4, $0x3;
	(pc) =	sbr.rel @!p1 .LBB2_23-.Ltmp16, $4  }
0x122: {  	s0 =	simm.s32 $0xE0;
	s4 =	sand.u32 @!p0 $0x7, s4;
	s5 =	sadd.s32 @!p0 s1, s5  }
0x123: {  	[hbm4b:s5+s4] =	stream.linear.scatter @!p0 [tilespmem:s0], [sflag:$0x5], $0x1, $0x38;
	[tilespmem:$0x11A60] =	vst v63  }
0x124: {  	s5 =	simm.s32 $0x0  }
0x125: {  	s4 =	simm.s32 $0xC1;
	s5 =	simm.s32 @!p0 $0x4  }
.LBB2_22:
0x126: {  	v0 =	vld.msk [tilespmem:s4+$0x0], $0x1;
	s2 =	sadd.s32 $0xFFFFFFFF, s2;
	s3 =	sadd.s32 s3, s5  }
0x127: {  	p0 =	sne.s32 s2, $0x0;
	_ =	sdelay $0x3  }
0x128: {  	(v2sf) =	vpush v0, $0x0;
	_ =	sdelay $0xe  }
.Ltmp17:
0x129: {  	s6 =	spop (v2sf);
	(pc) =	sbr.rel @p0 .LBB2_22-.Ltmp17, $4  }
0x12a: {  	s5 =	simm.s32 $0x0;
	p1 =	sgt.u32 s6, $0x27FF  }
0x12b: {  	s0 =	sadd.s32 $0x1, s0;
	s5 =	simm.s32 @!p1 $0x4;
	s7 =	sshrl.u32 @!p1 s6, $0x3  }
0x12c: {  	s4 =	sadd.s32 $0x1, s4;
	s6 =	sand.u32 @!p1 $0x7, s6;
	s7 =	sadd.s32 @!p1 s1, s7  }
0x12d: {  	[hbm4b:s7+s6] =	stream.linear.scatter @!p1 [tilespmem:s0], [sflag:$0x5], $0x1, $0x38;
	[tilespmem:$0x11A60] =	vst v63  }
.LBB2_23:
0x12e: {  	s0 =	sadd.s32 s3, s5  }
0x12f: {  	s3 =	sshrl.u32 s0, $0x2  }
.LBB2_24:
0x130: {  	s0 =	simm.s32 $0x5  }
0x131: {  	_ =	swait.ge [sflag:s0], s3  }
0x132: {  	s1 =	ssub.s32 $0x0, s3;
	[sflag:s0] =	ssyncset.done $0x0  }
0x133: {  	[sflag:s0] =	ssyncadd.s32 s1  }
0x134: {  	[sflag:s0] =	ssyncpa.u1 $0x1  }
0x135: {  	s29 =	simm.s32 $0x1;
	_ =	sfence  }
0x136: {  	s30 =	simm.s32 $0x2;
	[sflag:s29] =	ssyncpa.u1 $0x1  }
0x137: {  	[sflag:s30] =	ssyncpa.u1 $0x1  }
0x138: {  	_ =	strace $0x9000004D  }
0x139: {  	[bflag:$0x2] =	sbarrier.arrive $0xFFFF  }
0x13a: {  	s31 =	rddreg [dreg:$0x2]  }
0x13b: {  	s0 =	sadd.s32 $0x100000, s31  }
0x13c: {  	[sflag:s0] =	ssyncadd.tile.s32 $0x1;
	_ =	shalt  }
.Lfunc_end2:
_tile_overlayer_lowered:
.L_overlay_start_2:
0x13d: {  	(tag) =	ssettag $0x2  }
0x13e: {  	s0 =	rddreg [dreg:$0x0];
	s2 =	stileid.u32  }
0x13f: {  	s1 =	rddreg [dreg:$0x1];
	p0 =	sne.s32 s2, $0x0  }
0x140: {  	s3 =	rddreg [dreg:$0x2];
	[bflag:$0x3] =	sbarrier.arrive $0xFFFF;
	s2 =	simm.s32 @!p0 $0x1C01  }
0x141: {  	[timem:s3], [sflag:s2] =	dma.local @!p0 [hbm:s0], s1  }
0x142: {  	s0 =	simm.s32 @!p0 $0x1  }
0x143: {  	_ =	swait.ge @!p0 [sflag:s0], s1  }
0x144: {  	s1 =	ssub.s32 @!p0 $0x0, s1;
	[sflag:s0] =	ssyncset.done @!p0 $0x0  }
0x145: {  	[sflag:s0] =	ssyncadd.s32 @!p0 s1  }
0x146: {  	[bflag:$0x3] =	sbarrier.arrive $0xFFFF  }
0x147: {  	_ =	shalt  }

</sc_bundles>
